<compile_context>
chip_gen: v7x
topology: tpu7x:2x2x1
jax: 0.10.2.dev20260603
libtpu: 0.0.44.dev20260713+nightly
codegen_flags: <defaults>
</compile_context>

<pallas_src>
import functools

import jax
import jax.numpy as jnp
from jax import lax
from jax.experimental import pallas as pl
from jax.experimental.pallas import tpu as pltpu
from jax.experimental.pallas import tpu_sc as plsc

_ROWS = 8192
_EMB = 1024
_NC = 2
_NS = 16
_NW = _NC * _NS
_ROWS_PER_W = _ROWS // _NW
_CHUNK = 16
_NCHUNK = _ROWS_PER_W // _CHUNK
_NBUF = 6


@functools.partial(
    pl.kernel,
    out_type=jax.ShapeDtypeStruct((_ROWS, _EMB), jnp.float32),
    mesh=plsc.VectorSubcoreMesh(core_axis_name="c", subcore_axis_name="s"),
    scratch_types=[
        pltpu.VMEM((_ROWS_PER_W,), jnp.int32),
        pltpu.VMEM((16,), jnp.int32),
    ] + [pltpu.VMEM((_CHUNK, _EMB), jnp.float32)] * _NBUF
      + [pltpu.SemaphoreType.DMA] * (2 * _NBUF),
)
def _sc_gather(table_hbm, off_hbm, out_hbm, idx_v, off_v, *bufs_and_sems):
    wid = lax.axis_index("s") * _NC + lax.axis_index("c")
    base = wid * _ROWS_PER_W

    pltpu.sync_copy(off_hbm, off_v)
    off = off_v[...]
    iota = lax.iota(jnp.int32, 16)
    for j in range(_ROWS_PER_W // 16):
        vals = jnp.clip(iota + (base + 16 * j) + off, 0, _ROWS - 1)
        idx_v[pl.ds(16 * j, 16)] = vals

    bufs = bufs_and_sems[:_NBUF]
    gsems = bufs_and_sems[_NBUF:2 * _NBUF]
    wsems = bufs_and_sems[2 * _NBUF:]
    nbuf = _NBUF

    def gather(c):
        return pltpu.make_async_copy(
            table_hbm.at[idx_v.at[pl.ds(c * _CHUNK, _CHUNK)]],
            bufs[c % nbuf], gsems[c % nbuf])

    def write(c):
        return pltpu.make_async_copy(
            bufs[c % nbuf],
            out_hbm.at[pl.ds(base + c * _CHUNK, _CHUNK)],
            wsems[c % nbuf])

    for c in range(nbuf - 1):
        gather(c).start()
    for c in range(_NCHUNK):
        gather(c).wait()
        write(c).start()
        nxt = c + nbuf - 1
        if nxt < _NCHUNK:
            if nxt >= nbuf:
                write(nxt - nbuf).wait()
            gather(nxt).start()
    for c in range(_NCHUNK - nbuf, _NCHUNK):
        write(c).wait()


def kernel(seq_len, table):
    off = jnp.full((16,), 0, dtype=jnp.int32) + (
        jnp.asarray(seq_len, dtype=jnp.int32) - _ROWS)
    return _sc_gather(table, off)

# --- scband reference (transcript-rebuilt; emitter-appended) ---
"""Pipeline reference for scband-positional-embeddings-33655363731869 (READ-ONLY COPY).

The authoritative reference and input builder live on the scoring server;
editing this copy changes nothing except your own understanding.
"""

import jax, jax.numpy as jnp
import numpy as np

MAX_SEQ_LEN = 8192
EMB_SIZE = 1024

def setup_inputs(seed: int = 0) -> dict:
    key = jax.random.key(seed)
    k_tab, = jax.random.split(key, 1)
    table = jax.random.normal(k_tab, (MAX_SEQ_LEN, EMB_SIZE), dtype=jnp.float32)
    return {"seq_len": 8192, "table": table}

def reference(seq_len, table):
    # torch: pos_embedding(torch.tensor(range(seq_len))) -> gather rows 0..seq_len-1
    n = table.shape[0]
    idx = jnp.arange(n, dtype=jnp.int32) + (jnp.asarray(seq_len, dtype=jnp.int32) - n)
    return jnp.take(table, idx, axis=0)

if __name__ == "__main__":
    import jax
    _d = setup_inputs()
    print(jax.jit(kernel)(*tuple(_d.values())))

</pallas_src>

<mosaic_0001>
#map = affine_map<(d0, d1) -> (0, 0)>
#map1 = affine_map<(d0, d1) -> (0)>
module attributes {stable_mosaic.version = 14 : i64} {
  func.func @_sc_gather(%arg0: i32, %arg1: i32, %arg2: memref<8192x1024xf32, #tpu.memory_space<hbm>>, %arg3: memref<16xi32, #tpu.memory_space<hbm>>, %arg4: memref<8192x1024xf32, #tpu.memory_space<hbm>>, %arg5: memref<256xi32, #tpu.memory_space<vmem>>, %arg6: memref<16xi32, #tpu.memory_space<vmem>>, %arg7: memref<16x1024xf32, #tpu.memory_space<vmem>>, %arg8: memref<16x1024xf32, #tpu.memory_space<vmem>>, %arg9: memref<16x1024xf32, #tpu.memory_space<vmem>>, %arg10: memref<16x1024xf32, #tpu.memory_space<vmem>>, %arg11: memref<16x1024xf32, #tpu.memory_space<vmem>>, %arg12: memref<16x1024xf32, #tpu.memory_space<vmem>>, %arg13: memref<!tpu.dma_semaphore, #tpu.memory_space<semaphore_mem>>, %arg14: memref<!tpu.dma_semaphore, #tpu.memory_space<semaphore_mem>>, %arg15: memref<!tpu.dma_semaphore, #tpu.memory_space<semaphore_mem>>, %arg16: memref<!tpu.dma_semaphore, #tpu.memory_space<semaphore_mem>>, %arg17: memref<!tpu.dma_semaphore, #tpu.memory_space<semaphore_mem>>, %arg18: memref<!tpu.dma_semaphore, #tpu.memory_space<semaphore_mem>>, %arg19: memref<!tpu.dma_semaphore, #tpu.memory_space<semaphore_mem>>, %arg20: memref<!tpu.dma_semaphore, #tpu.memory_space<semaphore_mem>>, %arg21: memref<!tpu.dma_semaphore, #tpu.memory_space<semaphore_mem>>, %arg22: memref<!tpu.dma_semaphore, #tpu.memory_space<semaphore_mem>>, %arg23: memref<!tpu.dma_semaphore, #tpu.memory_space<semaphore_mem>>, %arg24: memref<!tpu.dma_semaphore, #tpu.memory_space<semaphore_mem>>) attributes {dimension_semantics = [#tpu.dimension_semantics<core_parallel>, #tpu.dimension_semantics<subcore_parallel>], iteration_bounds = array<i64: 2, 16>, scalar_prefetch = 0 : i64, scratch_operands = 20 : i64, tpu.core_type = #tpu.core_type<sc_vector_subcore>, window_params = [{transform_indices = #map}, {transform_indices = #map1}, {transform_indices = #map}]} {
    %mul3A = arith.constant 2 : i32
    %mul3A_0 = arith.muli %arg1, %mul3A : i32
    %add3A = arith.addi %mul3A_0, %arg0 : i32
    %mul3A_1 = arith.constant 256 : i32
    %mul3A_2 = arith.muli %add3A, %mul3A_1 : i32
    "tpu.region"() ({
      %run_scoped3A = tpu.sem_alloc : memref<!tpu.dma_semaphore, #tpu.memory_space<semaphore_mem>>
      tpu.enqueue_dma source(%arg3 : memref<16xi32, #tpu.memory_space<hbm>>) target(%arg6 : memref<16xi32, #tpu.memory_space<vmem>>) target_semaphore(%run_scoped3A : memref<!tpu.dma_semaphore, #tpu.memory_space<semaphore_mem>>)
      tpu.wait_dma2 semaphore(%run_scoped3A : memref<!tpu.dma_semaphore, #tpu.memory_space<semaphore_mem>>) src(%arg3 : memref<16xi32, #tpu.memory_space<hbm>>) dst(%arg6 : memref<16xi32, #tpu.memory_space<vmem>>)
      tpu.yield
    }) : () -> ()
    %get3A = arith.constant 0 : index
    %get3A_3 = tpu.vector_load %arg6[%get3A] {strides = array<i32>} : memref<16xi32, #tpu.memory_space<vmem>>, vector<16xi32>,
    %get3A_4 = vector.shape_cast %get3A_3 : vector<16xi32> to vector<16xi32>
    %iota3A = tpu.iota {dimensions = array<i32: 0>} : vector<16xi32>
    %add3A_5 = arith.constant 0 : i32
    %add3A_6 = arith.addi %mul3A_2, %add3A_5 : i32
    %add3A_7 = vector.broadcast %add3A_6 : i32 to vector<16xi32>
    %add3A_8 = arith.addi %iota3A, %add3A_7 : vector<16xi32>
    %add3A_9 = arith.addi %add3A_8, %get3A_4 : vector<16xi32>
    %jit3A = arith.constant 0 : i32
    %jit3A_10 = arith.constant 8191 : i32
    %max3A = vector.broadcast %jit3A : i32 to vector<16xi32>
    %max3A_11 = arith.maxsi %max3A, %add3A_9 : vector<16xi32>
    %min3A = vector.broadcast %jit3A_10 : i32 to vector<16xi32>
    %min3A_12 = arith.minsi %min3A, %max3A_11 : vector<16xi32>
    %swap3A = arith.constant 0 : index
    %swap3A_13 = tpu.vector_load %arg5[%swap3A] {strides = array<i32>} : memref<256xi32, #tpu.memory_space<vmem>>, vector<16xi32>,
    %swap3A_14 = vector.shape_cast %swap3A_13 : vector<16xi32> to vector<16xi32>
    %swap3A_15 = vector.shape_cast %min3A_12 : vector<16xi32> to vector<16xi32>
    tpu.vector_store %arg5[%swap3A], %swap3A_15 {strides = array<i32>} : memref<256xi32, #tpu.memory_space<vmem>>, vector<16xi32>,
    %add3A_16 = arith.constant 16 : i32
    %add3A_17 = arith.addi %mul3A_2, %add3A_16 : i32
    %add3A_18 = vector.broadcast %add3A_17 : i32 to vector<16xi32>
    %add3A_19 = arith.addi %iota3A, %add3A_18 : vector<16xi32>
    %add3A_20 = arith.addi %add3A_19, %get3A_4 : vector<16xi32>
    %jit3A_21 = arith.constant 0 : i32
    %jit3A_22 = arith.constant 8191 : i32
    %max3A_23 = vector.broadcast %jit3A_21 : i32 to vector<16xi32>
    %max3A_24 = arith.maxsi %max3A_23, %add3A_20 : vector<16xi32>
    %min3A_25 = vector.broadcast %jit3A_22 : i32 to vector<16xi32>
    %min3A_26 = arith.minsi %min3A_25, %max3A_24 : vector<16xi32>
    %swap3A_27 = arith.constant 16 : index
    %swap3A_28 = tpu.vector_load %arg5[%swap3A_27] {strides = array<i32>} : memref<256xi32, #tpu.memory_space<vmem>>, vector<16xi32>,
    %swap3A_29 = vector.shape_cast %swap3A_28 : vector<16xi32> to vector<16xi32>
    %swap3A_30 = vector.shape_cast %min3A_26 : vector<16xi32> to vector<16xi32>
    tpu.vector_store %arg5[%swap3A_27], %swap3A_30 {strides = array<i32>} : memref<256xi32, #tpu.memory_space<vmem>>, vector<16xi32>,
    %add3A_31 = arith.constant 32 : i32
    %add3A_32 = arith.addi %mul3A_2, %add3A_31 : i32
    %add3A_33 = vector.broadcast %add3A_32 : i32 to vector<16xi32>
    %add3A_34 = arith.addi %iota3A, %add3A_33 : vector<16xi32>
    %add3A_35 = arith.addi %add3A_34, %get3A_4 : vector<16xi32>
    %jit3A_36 = arith.constant 0 : i32
    %jit3A_37 = arith.constant 8191 : i32
    %max3A_38 = vector.broadcast %jit3A_36 : i32 to vector<16xi32>
    %max3A_39 = arith.maxsi %max3A_38, %add3A_35 : vector<16xi32>
    %min3A_40 = vector.broadcast %jit3A_37 : i32 to vector<16xi32>
    %min3A_41 = arith.minsi %min3A_40, %max3A_39 : vector<16xi32>
    %swap3A_42 = arith.constant 32 : index
    %swap3A_43 = tpu.vector_load %arg5[%swap3A_42] {strides = array<i32>} : memref<256xi32, #tpu.memory_space<vmem>>, vector<16xi32>,
    %swap3A_44 = vector.shape_cast %swap3A_43 : vector<16xi32> to vector<16xi32>
    %swap3A_45 = vector.shape_cast %min3A_41 : vector<16xi32> to vector<16xi32>
    tpu.vector_store %arg5[%swap3A_42], %swap3A_45 {strides = array<i32>} : memref<256xi32, #tpu.memory_space<vmem>>, vector<16xi32>,
    %add3A_46 = arith.constant 48 : i32
    %add3A_47 = arith.addi %mul3A_2, %add3A_46 : i32
    %add3A_48 = vector.broadcast %add3A_47 : i32 to vector<16xi32>
    %add3A_49 = arith.addi %iota3A, %add3A_48 : vector<16xi32>
    %add3A_50 = arith.addi %add3A_49, %get3A_4 : vector<16xi32>
    %jit3A_51 = arith.constant 0 : i32
    %jit3A_52 = arith.constant 8191 : i32
    %max3A_53 = vector.broadcast %jit3A_51 : i32 to vector<16xi32>
    %max3A_54 = arith.maxsi %max3A_53, %add3A_50 : vector<16xi32>
    %min3A_55 = vector.broadcast %jit3A_52 : i32 to vector<16xi32>
    %min3A_56 = arith.minsi %min3A_55, %max3A_54 : vector<16xi32>
    %swap3A_57 = arith.constant 48 : index
    %swap3A_58 = tpu.vector_load %arg5[%swap3A_57] {strides = array<i32>} : memref<256xi32, #tpu.memory_space<vmem>>, vector<16xi32>,
    %swap3A_59 = vector.shape_cast %swap3A_58 : vector<16xi32> to vector<16xi32>
    %swap3A_60 = vector.shape_cast %min3A_56 : vector<16xi32> to vector<16xi32>
    tpu.vector_store %arg5[%swap3A_57], %swap3A_60 {strides = array<i32>} : memref<256xi32, #tpu.memory_space<vmem>>, vector<16xi32>,
    %add3A_61 = arith.constant 64 : i32
    %add3A_62 = arith.addi %mul3A_2, %add3A_61 : i32
    %add3A_63 = vector.broadcast %add3A_62 : i32 to vector<16xi32>
    %add3A_64 = arith.addi %iota3A, %add3A_63 : vector<16xi32>
    %add3A_65 = arith.addi %add3A_64, %get3A_4 : vector<16xi32>
    %jit3A_66 = arith.constant 0 : i32
    %jit3A_67 = arith.constant 8191 : i32
    %max3A_68 = vector.broadcast %jit3A_66 : i32 to vector<16xi32>
    %max3A_69 = arith.maxsi %max3A_68, %add3A_65 : vector<16xi32>
    %min3A_70 = vector.broadcast %jit3A_67 : i32 to vector<16xi32>
    %min3A_71 = arith.minsi %min3A_70, %max3A_69 : vector<16xi32>
    %swap3A_72 = arith.constant 64 : index
    %swap3A_73 = tpu.vector_load %arg5[%swap3A_72] {strides = array<i32>} : memref<256xi32, #tpu.memory_space<vmem>>, vector<16xi32>,
    %swap3A_74 = vector.shape_cast %swap3A_73 : vector<16xi32> to vector<16xi32>
    %swap3A_75 = vector.shape_cast %min3A_71 : vector<16xi32> to vector<16xi32>
    tpu.vector_store %arg5[%swap3A_72], %swap3A_75 {strides = array<i32>} : memref<256xi32, #tpu.memory_space<vmem>>, vector<16xi32>,
    %add3A_76 = arith.constant 80 : i32
    %add3A_77 = arith.addi %mul3A_2, %add3A_76 : i32
    %add3A_78 = vector.broadcast %add3A_77 : i32 to vector<16xi32>
    %add3A_79 = arith.addi %iota3A, %add3A_78 : vector<16xi32>
    %add3A_80 = arith.addi %add3A_79, %get3A_4 : vector<16xi32>
    %jit3A_81 = arith.constant 0 : i32
    %jit3A_82 = arith.constant 8191 : i32
    %max3A_83 = vector.broadcast %jit3A_81 : i32 to vector<16xi32>
    %max3A_84 = arith.maxsi %max3A_83, %add3A_80 : vector<16xi32>
    %min3A_85 = vector.broadcast %jit3A_82 : i32 to vector<16xi32>
    %min3A_86 = arith.minsi %min3A_85, %max3A_84 : vector<16xi32>
    %swap3A_87 = arith.constant 80 : index
    %swap3A_88 = tpu.vector_load %arg5[%swap3A_87] {strides = array<i32>} : memref<256xi32, #tpu.memory_space<vmem>>, vector<16xi32>,
    %swap3A_89 = vector.shape_cast %swap3A_88 : vector<16xi32> to vector<16xi32>
    %swap3A_90 = vector.shape_cast %min3A_86 : vector<16xi32> to vector<16xi32>
    tpu.vector_store %arg5[%swap3A_87], %swap3A_90 {strides = array<i32>} : memref<256xi32, #tpu.memory_space<vmem>>, vector<16xi32>,
    %add3A_91 = arith.constant 96 : i32
    %add3A_92 = arith.addi %mul3A_2, %add3A_91 : i32
    %add3A_93 = vector.broadcast %add3A_92 : i32 to vector<16xi32>
    %add3A_94 = arith.addi %iota3A, %add3A_93 : vector<16xi32>
    %add3A_95 = arith.addi %add3A_94, %get3A_4 : vector<16xi32>
    %jit3A_96 = arith.constant 0 : i32
    %jit3A_97 = arith.constant 8191 : i32
    %max3A_98 = vector.broadcast %jit3A_96 : i32 to vector<16xi32>
    %max3A_99 = arith.maxsi %max3A_98, %add3A_95 : vector<16xi32>
    %min3A_100 = vector.broadcast %jit3A_97 : i32 to vector<16xi32>
    %min3A_101 = arith.minsi %min3A_100, %max3A_99 : vector<16xi32>
    %swap3A_102 = arith.constant 96 : index
    %swap3A_103 = tpu.vector_load %arg5[%swap3A_102] {strides = array<i32>} : memref<256xi32, #tpu.memory_space<vmem>>, vector<16xi32>,
    %swap3A_104 = vector.shape_cast %swap3A_103 : vector<16xi32> to vector<16xi32>
    %swap3A_105 = vector.shape_cast %min3A_101 : vector<16xi32> to vector<16xi32>
    tpu.vector_store %arg5[%swap3A_102], %swap3A_105 {strides = array<i32>} : memref<256xi32, #tpu.memory_space<vmem>>, vector<16xi32>,
    %add3A_106 = arith.constant 112 : i32
    %add3A_107 = arith.addi %mul3A_2, %add3A_106 : i32
    %add3A_108 = vector.broadcast %add3A_107 : i32 to vector<16xi32>
    %add3A_109 = arith.addi %iota3A, %add3A_108 : vector<16xi32>
    %add3A_110 = arith.addi %add3A_109, %get3A_4 : vector<16xi32>
    %jit3A_111 = arith.constant 0 : i32
    %jit3A_112 = arith.constant 8191 : i32
    %max3A_113 = vector.broadcast %jit3A_111 : i32 to vector<16xi32>
    %max3A_114 = arith.maxsi %max3A_113, %add3A_110 : vector<16xi32>
    %min3A_115 = vector.broadcast %jit3A_112 : i32 to vector<16xi32>
    %min3A_116 = arith.minsi %min3A_115, %max3A_114 : vector<16xi32>
    %swap3A_117 = arith.constant 112 : index
    %swap3A_118 = tpu.vector_load %arg5[%swap3A_117] {strides = array<i32>} : memref<256xi32, #tpu.memory_space<vmem>>, vector<16xi32>,
    %swap3A_119 = vector.shape_cast %swap3A_118 : vector<16xi32> to vector<16xi32>
    %swap3A_120 = vector.shape_cast %min3A_116 : vector<16xi32> to vector<16xi32>
    tpu.vector_store %arg5[%swap3A_117], %swap3A_120 {strides = array<i32>} : memref<256xi32, #tpu.memory_space<vmem>>, vector<16xi32>,
    %add3A_121 = arith.constant 128 : i32
    %add3A_122 = arith.addi %mul3A_2, %add3A_121 : i32
    %add3A_123 = vector.broadcast %add3A_122 : i32 to vector<16xi32>
    %add3A_124 = arith.addi %iota3A, %add3A_123 : vector<16xi32>
    %add3A_125 = arith.addi %add3A_124, %get3A_4 : vector<16xi32>
    %jit3A_126 = arith.constant 0 : i32
    %jit3A_127 = arith.constant 8191 : i32
    %max3A_128 = vector.broadcast %jit3A_126 : i32 to vector<16xi32>
    %max3A_129 = arith.maxsi %max3A_128, %add3A_125 : vector<16xi32>
    %min3A_130 = vector.broadcast %jit3A_127 : i32 to vector<16xi32>
    %min3A_131 = arith.minsi %min3A_130, %max3A_129 : vector<16xi32>
    %swap3A_132 = arith.constant 128 : index
    %swap3A_133 = tpu.vector_load %arg5[%swap3A_132] {strides = array<i32>} : memref<256xi32, #tpu.memory_space<vmem>>, vector<16xi32>,
    %swap3A_134 = vector.shape_cast %swap3A_133 : vector<16xi32> to vector<16xi32>
    %swap3A_135 = vector.shape_cast %min3A_131 : vector<16xi32> to vector<16xi32>
    tpu.vector_store %arg5[%swap3A_132], %swap3A_135 {strides = array<i32>} : memref<256xi32, #tpu.memory_space<vmem>>, vector<16xi32>,
    %add3A_136 = arith.constant 144 : i32
    %add3A_137 = arith.addi %mul3A_2, %add3A_136 : i32
    %add3A_138 = vector.broadcast %add3A_137 : i32 to vector<16xi32>
    %add3A_139 = arith.addi %iota3A, %add3A_138 : vector<16xi32>
    %add3A_140 = arith.addi %add3A_139, %get3A_4 : vector<16xi32>
    %jit3A_141 = arith.constant 0 : i32
    %jit3A_142 = arith.constant 8191 : i32
    %max3A_143 = vector.broadcast %jit3A_141 : i32 to vector<16xi32>
    %max3A_144 = arith.maxsi %max3A_143, %add3A_140 : vector<16xi32>
    %min3A_145 = vector.broadcast %jit3A_142 : i32 to vector<16xi32>
    %min3A_146 = arith.minsi %min3A_145, %max3A_144 : vector<16xi32>
    %swap3A_147 = arith.constant 144 : index
    %swap3A_148 = tpu.vector_load %arg5[%swap3A_147] {strides = array<i32>} : memref<256xi32, #tpu.memory_space<vmem>>, vector<16xi32>,
    %swap3A_149 = vector.shape_cast %swap3A_148 : vector<16xi32> to vector<16xi32>
    %swap3A_150 = vector.shape_cast %min3A_146 : vector<16xi32> to vector<16xi32>
    tpu.vector_store %arg5[%swap3A_147], %swap3A_150 {strides = array<i32>} : memref<256xi32, #tpu.memory_space<vmem>>, vector<16xi32>,
    %add3A_151 = arith.constant 160 : i32
    %add3A_152 = arith.addi %mul3A_2, %add3A_151 : i32
    %add3A_153 = vector.broadcast %add3A_152 : i32 to vector<16xi32>
    %add3A_154 = arith.addi %iota3A, %add3A_153 : vector<16xi32>
    %add3A_155 = arith.addi %add3A_154, %get3A_4 : vector<16xi32>
    %jit3A_156 = arith.constant 0 : i32
    %jit3A_157 = arith.constant 8191 : i32
    %max3A_158 = vector.broadcast %jit3A_156 : i32 to vector<16xi32>
    %max3A_159 = arith.maxsi %max3A_158, %add3A_155 : vector<16xi32>
    %min3A_160 = vector.broadcast %jit3A_157 : i32 to vector<16xi32>
    %min3A_161 = arith.minsi %min3A_160, %max3A_159 : vector<16xi32>
    %swap3A_162 = arith.constant 160 : index
    %swap3A_163 = tpu.vector_load %arg5[%swap3A_162] {strides = array<i32>} : memref<256xi32, #tpu.memory_space<vmem>>, vector<16xi32>,
    %swap3A_164 = vector.shape_cast %swap3A_163 : vector<16xi32> to vector<16xi32>
    %swap3A_165 = vector.shape_cast %min3A_161 : vector<16xi32> to vector<16xi32>
    tpu.vector_store %arg5[%swap3A_162], %swap3A_165 {strides = array<i32>} : memref<256xi32, #tpu.memory_space<vmem>>, vector<16xi32>,
    %add3A_166 = arith.constant 176 : i32
    %add3A_167 = arith.addi %mul3A_2, %add3A_166 : i32
    %add3A_168 = vector.broadcast %add3A_167 : i32 to vector<16xi32>
    %add3A_169 = arith.addi %iota3A, %add3A_168 : vector<16xi32>
    %add3A_170 = arith.addi %add3A_169, %get3A_4 : vector<16xi32>
    %jit3A_171 = arith.constant 0 : i32
    %jit3A_172 = arith.constant 8191 : i32
    %max3A_173 = vector.broadcast %jit3A_171 : i32 to vector<16xi32>
    %max3A_174 = arith.maxsi %max3A_173, %add3A_170 : vector<16xi32>
    %min3A_175 = vector.broadcast %jit3A_172 : i32 to vector<16xi32>
    %min3A_176 = arith.minsi %min3A_175, %max3A_174 : vector<16xi32>
    %swap3A_177 = arith.constant 176 : index
    %swap3A_178 = tpu.vector_load %arg5[%swap3A_177] {strides = array<i32>} : memref<256xi32, #tpu.memory_space<vmem>>, vector<16xi32>,
    %swap3A_179 = vector.shape_cast %swap3A_178 : vector<16xi32> to vector<16xi32>
    %swap3A_180 = vector.shape_cast %min3A_176 : vector<16xi32> to vector<16xi32>
    tpu.vector_store %arg5[%swap3A_177], %swap3A_180 {strides = array<i32>} : memref<256xi32, #tpu.memory_space<vmem>>, vector<16xi32>,
    %add3A_181 = arith.constant 192 : i32
    %add3A_182 = arith.addi %mul3A_2, %add3A_181 : i32
    %add3A_183 = vector.broadcast %add3A_182 : i32 to vector<16xi32>
    %add3A_184 = arith.addi %iota3A, %add3A_183 : vector<16xi32>
    %add3A_185 = arith.addi %add3A_184, %get3A_4 : vector<16xi32>
    %jit3A_186 = arith.constant 0 : i32
    %jit3A_187 = arith.constant 8191 : i32
    %max3A_188 = vector.broadcast %jit3A_186 : i32 to vector<16xi32>
    %max3A_189 = arith.maxsi %max3A_188, %add3A_185 : vector<16xi32>
    %min3A_190 = vector.broadcast %jit3A_187 : i32 to vector<16xi32>
    %min3A_191 = arith.minsi %min3A_190, %max3A_189 : vector<16xi32>
    %swap3A_192 = arith.constant 192 : index
    %swap3A_193 = tpu.vector_load %arg5[%swap3A_192] {strides = array<i32>} : memref<256xi32, #tpu.memory_space<vmem>>, vector<16xi32>,
    %swap3A_194 = vector.shape_cast %swap3A_193 : vector<16xi32> to vector<16xi32>
    %swap3A_195 = vector.shape_cast %min3A_191 : vector<16xi32> to vector<16xi32>
    tpu.vector_store %arg5[%swap3A_192], %swap3A_195 {strides = array<i32>} : memref<256xi32, #tpu.memory_space<vmem>>, vector<16xi32>,
    %add3A_196 = arith.constant 208 : i32
    %add3A_197 = arith.addi %mul3A_2, %add3A_196 : i32
    %add3A_198 = vector.broadcast %add3A_197 : i32 to vector<16xi32>
    %add3A_199 = arith.addi %iota3A, %add3A_198 : vector<16xi32>
    %add3A_200 = arith.addi %add3A_199, %get3A_4 : vector<16xi32>
    %jit3A_201 = arith.constant 0 : i32
    %jit3A_202 = arith.constant 8191 : i32
    %max3A_203 = vector.broadcast %jit3A_201 : i32 to vector<16xi32>
    %max3A_204 = arith.maxsi %max3A_203, %add3A_200 : vector<16xi32>
    %min3A_205 = vector.broadcast %jit3A_202 : i32 to vector<16xi32>
    %min3A_206 = arith.minsi %min3A_205, %max3A_204 : vector<16xi32>
    %swap3A_207 = arith.constant 208 : index
    %swap3A_208 = tpu.vector_load %arg5[%swap3A_207] {strides = array<i32>} : memref<256xi32, #tpu.memory_space<vmem>>, vector<16xi32>,
    %swap3A_209 = vector.shape_cast %swap3A_208 : vector<16xi32> to vector<16xi32>
    %swap3A_210 = vector.shape_cast %min3A_206 : vector<16xi32> to vector<16xi32>
    tpu.vector_store %arg5[%swap3A_207], %swap3A_210 {strides = array<i32>} : memref<256xi32, #tpu.memory_space<vmem>>, vector<16xi32>,
    %add3A_211 = arith.constant 224 : i32
    %add3A_212 = arith.addi %mul3A_2, %add3A_211 : i32
    %add3A_213 = vector.broadcast %add3A_212 : i32 to vector<16xi32>
    %add3A_214 = arith.addi %iota3A, %add3A_213 : vector<16xi32>
    %add3A_215 = arith.addi %add3A_214, %get3A_4 : vector<16xi32>
    %jit3A_216 = arith.constant 0 : i32
    %jit3A_217 = arith.constant 8191 : i32
    %max3A_218 = vector.broadcast %jit3A_216 : i32 to vector<16xi32>
    %max3A_219 = arith.maxsi %max3A_218, %add3A_215 : vector<16xi32>
    %min3A_220 = vector.broadcast %jit3A_217 : i32 to vector<16xi32>
    %min3A_221 = arith.minsi %min3A_220, %max3A_219 : vector<16xi32>
    %swap3A_222 = arith.constant 224 : index
    %swap3A_223 = tpu.vector_load %arg5[%swap3A_222] {strides = array<i32>} : memref<256xi32, #tpu.memory_space<vmem>>, vector<16xi32>,
    %swap3A_224 = vector.shape_cast %swap3A_223 : vector<16xi32> to vector<16xi32>
    %swap3A_225 = vector.shape_cast %min3A_221 : vector<16xi32> to vector<16xi32>
    tpu.vector_store %arg5[%swap3A_222], %swap3A_225 {strides = array<i32>} : memref<256xi32, #tpu.memory_space<vmem>>, vector<16xi32>,
    %add3A_226 = arith.constant 240 : i32
    %add3A_227 = arith.addi %mul3A_2, %add3A_226 : i32
    %add3A_228 = vector.broadcast %add3A_227 : i32 to vector<16xi32>
    %add3A_229 = arith.addi %iota3A, %add3A_228 : vector<16xi32>
    %add3A_230 = arith.addi %add3A_229, %get3A_4 : vector<16xi32>
    %jit3A_231 = arith.constant 0 : i32
    %jit3A_232 = arith.constant 8191 : i32
    %max3A_233 = vector.broadcast %jit3A_231 : i32 to vector<16xi32>
    %max3A_234 = arith.maxsi %max3A_233, %add3A_230 : vector<16xi32>
    %min3A_235 = vector.broadcast %jit3A_232 : i32 to vector<16xi32>
    %min3A_236 = arith.minsi %min3A_235, %max3A_234 : vector<16xi32>
    %swap3A_237 = arith.constant 240 : index
    %swap3A_238 = tpu.vector_load %arg5[%swap3A_237] {strides = array<i32>} : memref<256xi32, #tpu.memory_space<vmem>>, vector<16xi32>,
    %swap3A_239 = vector.shape_cast %swap3A_238 : vector<16xi32> to vector<16xi32>
    %swap3A_240 = vector.shape_cast %min3A_236 : vector<16xi32> to vector<16xi32>
    tpu.vector_store %arg5[%swap3A_237], %swap3A_240 {strides = array<i32>} : memref<256xi32, #tpu.memory_space<vmem>>, vector<16xi32>,
    %dma_start3A = arith.constant 0 : i32
    %dma_start3A_241 = tpu.memref_slice %arg5[%dma_start3A] : memref<256xi32, #tpu.memory_space<vmem>> -> memref<16xi32, #tpu.memory_space<vmem>>
    %dma_start3A_242 = arith.constant 0 : i32
    %dma_start3A_243 = arith.constant 0 : i32
    %dma_start3A_244 = tpu.memref_slice %arg2[%dma_start3A_242, %dma_start3A_243] : memref<8192x1024xf32, #tpu.memory_space<hbm>> -> memref<8192x1024xf32, #tpu.memory_space<hbm>>
    tpu.enqueue_indirect_dma source(%dma_start3A_244 : memref<8192x1024xf32, #tpu.memory_space<hbm>>) target(%arg7 : memref<16x1024xf32, #tpu.memory_space<vmem>>) offsets(%dma_start3A_241 : memref<16xi32, #tpu.memory_space<vmem>>) semaphore(%arg13 : memref<!tpu.dma_semaphore, #tpu.memory_space<semaphore_mem>>)
    %dma_start3A_245 = arith.constant 16 : i32
    %dma_start3A_246 = tpu.memref_slice %arg5[%dma_start3A_245] : memref<256xi32, #tpu.memory_space<vmem>> -> memref<16xi32, #tpu.memory_space<vmem>>
    %dma_start3A_247 = arith.constant 0 : i32
    %dma_start3A_248 = arith.constant 0 : i32
    %dma_start3A_249 = tpu.memref_slice %arg2[%dma_start3A_247, %dma_start3A_248] : memref<8192x1024xf32, #tpu.memory_space<hbm>> -> memref<8192x1024xf32, #tpu.memory_space<hbm>>
    tpu.enqueue_indirect_dma source(%dma_start3A_249 : memref<8192x1024xf32, #tpu.memory_space<hbm>>) target(%arg8 : memref<16x1024xf32, #tpu.memory_space<vmem>>) offsets(%dma_start3A_246 : memref<16xi32, #tpu.memory_space<vmem>>) semaphore(%arg14 : memref<!tpu.dma_semaphore, #tpu.memory_space<semaphore_mem>>)
    %dma_start3A_250 = arith.constant 32 : i32
    %dma_start3A_251 = tpu.memref_slice %arg5[%dma_start3A_250] : memref<256xi32, #tpu.memory_space<vmem>> -> memref<16xi32, #tpu.memory_space<vmem>>
    %dma_start3A_252 = arith.constant 0 : i32
    %dma_start3A_253 = arith.constant 0 : i32
    %dma_start3A_254 = tpu.memref_slice %arg2[%dma_start3A_252, %dma_start3A_253] : memref<8192x1024xf32, #tpu.memory_space<hbm>> -> memref<8192x1024xf32, #tpu.memory_space<hbm>>
    tpu.enqueue_indirect_dma source(%dma_start3A_254 : memref<8192x1024xf32, #tpu.memory_space<hbm>>) target(%arg9 : memref<16x1024xf32, #tpu.memory_space<vmem>>) offsets(%dma_start3A_251 : memref<16xi32, #tpu.memory_space<vmem>>) semaphore(%arg15 : memref<!tpu.dma_semaphore, #tpu.memory_space<semaphore_mem>>)
    %dma_start3A_255 = arith.constant 48 : i32
    %dma_start3A_256 = tpu.memref_slice %arg5[%dma_start3A_255] : memref<256xi32, #tpu.memory_space<vmem>> -> memref<16xi32, #tpu.memory_space<vmem>>
    %dma_start3A_257 = arith.constant 0 : i32
    %dma_start3A_258 = arith.constant 0 : i32
    %dma_start3A_259 = tpu.memref_slice %arg2[%dma_start3A_257, %dma_start3A_258] : memref<8192x1024xf32, #tpu.memory_space<hbm>> -> memref<8192x1024xf32, #tpu.memory_space<hbm>>
    tpu.enqueue_indirect_dma source(%dma_start3A_259 : memref<8192x1024xf32, #tpu.memory_space<hbm>>) target(%arg10 : memref<16x1024xf32, #tpu.memory_space<vmem>>) offsets(%dma_start3A_256 : memref<16xi32, #tpu.memory_space<vmem>>) semaphore(%arg16 : memref<!tpu.dma_semaphore, #tpu.memory_space<semaphore_mem>>)
    %dma_start3A_260 = arith.constant 64 : i32
    %dma_start3A_261 = tpu.memref_slice %arg5[%dma_start3A_260] : memref<256xi32, #tpu.memory_space<vmem>> -> memref<16xi32, #tpu.memory_space<vmem>>
    %dma_start3A_262 = arith.constant 0 : i32
    %dma_start3A_263 = arith.constant 0 : i32
    %dma_start3A_264 = tpu.memref_slice %arg2[%dma_start3A_262, %dma_start3A_263] : memref<8192x1024xf32, #tpu.memory_space<hbm>> -> memref<8192x1024xf32, #tpu.memory_space<hbm>>
    tpu.enqueue_indirect_dma source(%dma_start3A_264 : memref<8192x1024xf32, #tpu.memory_space<hbm>>) target(%arg11 : memref<16x1024xf32, #tpu.memory_space<vmem>>) offsets(%dma_start3A_261 : memref<16xi32, #tpu.memory_space<vmem>>) semaphore(%arg17 : memref<!tpu.dma_semaphore, #tpu.memory_space<semaphore_mem>>)
    %dma_wait3A = arith.constant 0 : i32
    %dma_wait3A_265 = tpu.memref_slice %arg5[%dma_wait3A] : memref<256xi32, #tpu.memory_space<vmem>> -> memref<16xi32, #tpu.memory_space<vmem>>
    %dma_wait3A_266 = arith.constant 0 : i32
    %dma_wait3A_267 = arith.constant 0 : i32
    %dma_wait3A_268 = tpu.memref_slice %arg2[%dma_wait3A_266, %dma_wait3A_267] : memref<8192x1024xf32, #tpu.memory_space<hbm>> -> memref<8192x1024xf32, #tpu.memory_space<hbm>>
    tpu.wait_indirect_dma semaphore(%arg13 : memref<!tpu.dma_semaphore, #tpu.memory_space<semaphore_mem>>) src(%dma_wait3A_268 : memref<8192x1024xf32, #tpu.memory_space<hbm>>) dst(%arg7 : memref<16x1024xf32, #tpu.memory_space<vmem>>)
    %add3A_269 = arith.constant 0 : i32
    %add3A_270 = arith.addi %mul3A_2, %add3A_269 : i32
    %dma_start3A_271 = arith.constant 0 : i32
    %dma_start3A_272 = tpu.memref_slice %arg4[%add3A_270, %dma_start3A_271] : memref<8192x1024xf32, #tpu.memory_space<hbm>> -> memref<16x1024xf32, #tpu.memory_space<hbm>>
    %dma_start3A_273 = arith.constant 0 : i32
    %dma_start3A_274 = tpu.memref_slice %arg4[%add3A_270, %dma_start3A_273] : memref<8192x1024xf32, #tpu.memory_space<hbm>> -> memref<16x1024xf32, #tpu.memory_space<hbm>>
    tpu.enqueue_dma source(%arg7 : memref<16x1024xf32, #tpu.memory_space<vmem>>) target(%dma_start3A_274 : memref<16x1024xf32, #tpu.memory_space<hbm>>) target_semaphore(%arg19 : memref<!tpu.dma_semaphore, #tpu.memory_space<semaphore_mem>>)
    %dma_start3A_275 = arith.constant 80 : i32
    %dma_start3A_276 = tpu.memref_slice %arg5[%dma_start3A_275] : memref<256xi32, #tpu.memory_space<vmem>> -> memref<16xi32, #tpu.memory_space<vmem>>
    %dma_start3A_277 = arith.constant 0 : i32
    %dma_start3A_278 = arith.constant 0 : i32
    %dma_start3A_279 = tpu.memref_slice %arg2[%dma_start3A_277, %dma_start3A_278] : memref<8192x1024xf32, #tpu.memory_space<hbm>> -> memref<8192x1024xf32, #tpu.memory_space<hbm>>
    tpu.enqueue_indirect_dma source(%dma_start3A_279 : memref<8192x1024xf32, #tpu.memory_space<hbm>>) target(%arg12 : memref<16x1024xf32, #tpu.memory_space<vmem>>) offsets(%dma_start3A_276 : memref<16xi32, #tpu.memory_space<vmem>>) semaphore(%arg18 : memref<!tpu.dma_semaphore, #tpu.memory_space<semaphore_mem>>)
    %dma_wait3A_280 = arith.constant 16 : i32
    %dma_wait3A_281 = tpu.memref_slice %arg5[%dma_wait3A_280] : memref<256xi32, #tpu.memory_space<vmem>> -> memref<16xi32, #tpu.memory_space<vmem>>
    %dma_wait3A_282 = arith.constant 0 : i32
    %dma_wait3A_283 = arith.constant 0 : i32
    %dma_wait3A_284 = tpu.memref_slice %arg2[%dma_wait3A_282, %dma_wait3A_283] : memref<8192x1024xf32, #tpu.memory_space<hbm>> -> memref<8192x1024xf32, #tpu.memory_space<hbm>>
    tpu.wait_indirect_dma semaphore(%arg14 : memref<!tpu.dma_semaphore, #tpu.memory_space<semaphore_mem>>) src(%dma_wait3A_284 : memref<8192x1024xf32, #tpu.memory_space<hbm>>) dst(%arg8 : memref<16x1024xf32, #tpu.memory_space<vmem>>)
    %add3A_285 = arith.constant 16 : i32
    %add3A_286 = arith.addi %mul3A_2, %add3A_285 : i32
    %dma_start3A_287 = arith.constant 0 : i32
    %dma_start3A_288 = tpu.memref_slice %arg4[%add3A_286, %dma_start3A_287] : memref<8192x1024xf32, #tpu.memory_space<hbm>> -> memref<16x1024xf32, #tpu.memory_space<hbm>>
    %dma_start3A_289 = arith.constant 0 : i32
    %dma_start3A_290 = tpu.memref_slice %arg4[%add3A_286, %dma_start3A_289] : memref<8192x1024xf32, #tpu.memory_space<hbm>> -> memref<16x1024xf32, #tpu.memory_space<hbm>>
    tpu.enqueue_dma source(%arg8 : memref<16x1024xf32, #tpu.memory_space<vmem>>) target(%dma_start3A_290 : memref<16x1024xf32, #tpu.memory_space<hbm>>) target_semaphore(%arg20 : memref<!tpu.dma_semaphore, #tpu.memory_space<semaphore_mem>>)
    %add3A_291 = arith.constant 0 : i32
    %add3A_292 = arith.addi %mul3A_2, %add3A_291 : i32
    %dma_wait3A_293 = arith.constant 0 : i32
    %dma_wait3A_294 = tpu.memref_slice %arg4[%add3A_292, %dma_wait3A_293] : memref<8192x1024xf32, #tpu.memory_space<hbm>> -> memref<16x1024xf32, #tpu.memory_space<hbm>>
    %dma_wait3A_295 = arith.constant 0 : i32
    %dma_wait3A_296 = tpu.memref_slice %arg4[%add3A_292, %dma_wait3A_295] : memref<8192x1024xf32, #tpu.memory_space<hbm>> -> memref<16x1024xf32, #tpu.memory_space<hbm>>
    tpu.wait_dma2 semaphore(%arg19 : memref<!tpu.dma_semaphore, #tpu.memory_space<semaphore_mem>>) src(%arg7 : memref<16x1024xf32, #tpu.memory_space<vmem>>) dst(%dma_wait3A_296 : memref<16x1024xf32, #tpu.memory_space<hbm>>)
    %dma_start3A_297 = arith.constant 96 : i32
    %dma_start3A_298 = tpu.memref_slice %arg5[%dma_start3A_297] : memref<256xi32, #tpu.memory_space<vmem>> -> memref<16xi32, #tpu.memory_space<vmem>>
    %dma_start3A_299 = arith.constant 0 : i32
    %dma_start3A_300 = arith.constant 0 : i32
    %dma_start3A_301 = tpu.memref_slice %arg2[%dma_start3A_299, %dma_start3A_300] : memref<8192x1024xf32, #tpu.memory_space<hbm>> -> memref<8192x1024xf32, #tpu.memory_space<hbm>>
    tpu.enqueue_indirect_dma source(%dma_start3A_301 : memref<8192x1024xf32, #tpu.memory_space<hbm>>) target(%arg7 : memref<16x1024xf32, #tpu.memory_space<vmem>>) offsets(%dma_start3A_298 : memref<16xi32, #tpu.memory_space<vmem>>) semaphore(%arg13 : memref<!tpu.dma_semaphore, #tpu.memory_space<semaphore_mem>>)
    %dma_wait3A_302 = arith.constant 32 : i32
    %dma_wait3A_303 = tpu.memref_slice %arg5[%dma_wait3A_302] : memref<256xi32, #tpu.memory_space<vmem>> -> memref<16xi32, #tpu.memory_space<vmem>>
    %dma_wait3A_304 = arith.constant 0 : i32
    %dma_wait3A_305 = arith.constant 0 : i32
    %dma_wait3A_306 = tpu.memref_slice %arg2[%dma_wait3A_304, %dma_wait3A_305] : memref<8192x1024xf32, #tpu.memory_space<hbm>> -> memref<8192x1024xf32, #tpu.memory_space<hbm>>
    tpu.wait_indirect_dma semaphore(%arg15 : memref<!tpu.dma_semaphore, #tpu.memory_space<semaphore_mem>>) src(%dma_wait3A_306 : memref<8192x1024xf32, #tpu.memory_space<hbm>>) dst(%arg9 : memref<16x1024xf32, #tpu.memory_space<vmem>>)
    %add3A_307 = arith.constant 32 : i32
    %add3A_308 = arith.addi %mul3A_2, %add3A_307 : i32
    %dma_start3A_309 = arith.constant 0 : i32
    %dma_start3A_310 = tpu.memref_slice %arg4[%add3A_308, %dma_start3A_309] : memref<8192x1024xf32, #tpu.memory_space<hbm>> -> memref<16x1024xf32, #tpu.memory_space<hbm>>
    %dma_start3A_311 = arith.constant 0 : i32
    %dma_start3A_312 = tpu.memref_slice %arg4[%add3A_308, %dma_start3A_311] : memref<8192x1024xf32, #tpu.memory_space<hbm>> -> memref<16x1024xf32, #tpu.memory_space<hbm>>
    tpu.enqueue_dma source(%arg9 : memref<16x1024xf32, #tpu.memory_space<vmem>>) target(%dma_start3A_312 : memref<16x1024xf32, #tpu.memory_space<hbm>>) target_semaphore(%arg21 : memref<!tpu.dma_semaphore, #tpu.memory_space<semaphore_mem>>)
    %add3A_313 = arith.constant 16 : i32
    %add3A_314 = arith.addi %mul3A_2, %add3A_313 : i32
    %dma_wait3A_315 = arith.constant 0 : i32
    %dma_wait3A_316 = tpu.memref_slice %arg4[%add3A_314, %dma_wait3A_315] : memref<8192x1024xf32, #tpu.memory_space<hbm>> -> memref<16x1024xf32, #tpu.memory_space<hbm>>
    %dma_wait3A_317 = arith.constant 0 : i32
    %dma_wait3A_318 = tpu.memref_slice %arg4[%add3A_314, %dma_wait3A_317] : memref<8192x1024xf32, #tpu.memory_space<hbm>> -> memref<16x1024xf32, #tpu.memory_space<hbm>>
    tpu.wait_dma2 semaphore(%arg20 : memref<!tpu.dma_semaphore, #tpu.memory_space<semaphore_mem>>) src(%arg8 : memref<16x1024xf32, #tpu.memory_space<vmem>>) dst(%dma_wait3A_318 : memref<16x1024xf32, #tpu.memory_space<hbm>>)
    %dma_start3A_319 = arith.constant 112 : i32
    %dma_start3A_320 = tpu.memref_slice %arg5[%dma_start3A_319] : memref<256xi32, #tpu.memory_space<vmem>> -> memref<16xi32, #tpu.memory_space<vmem>>
    %dma_start3A_321 = arith.constant 0 : i32
    %dma_start3A_322 = arith.constant 0 : i32
    %dma_start3A_323 = tpu.memref_slice %arg2[%dma_start3A_321, %dma_start3A_322] : memref<8192x1024xf32, #tpu.memory_space<hbm>> -> memref<8192x1024xf32, #tpu.memory_space<hbm>>
    tpu.enqueue_indirect_dma source(%dma_start3A_323 : memref<8192x1024xf32, #tpu.memory_space<hbm>>) target(%arg8 : memref<16x1024xf32, #tpu.memory_space<vmem>>) offsets(%dma_start3A_320 : memref<16xi32, #tpu.memory_space<vmem>>) semaphore(%arg14 : memref<!tpu.dma_semaphore, #tpu.memory_space<semaphore_mem>>)
    %dma_wait3A_324 = arith.constant 48 : i32
    %dma_wait3A_325 = tpu.memref_slice %arg5[%dma_wait3A_324] : memref<256xi32, #tpu.memory_space<vmem>> -> memref<16xi32, #tpu.memory_space<vmem>>
    %dma_wait3A_326 = arith.constant 0 : i32
    %dma_wait3A_327 = arith.constant 0 : i32
    %dma_wait3A_328 = tpu.memref_slice %arg2[%dma_wait3A_326, %dma_wait3A_327] : memref<8192x1024xf32, #tpu.memory_space<hbm>> -> memref<8192x1024xf32, #tpu.memory_space<hbm>>
    tpu.wait_indirect_dma semaphore(%arg16 : memref<!tpu.dma_semaphore, #tpu.memory_space<semaphore_mem>>) src(%dma_wait3A_328 : memref<8192x1024xf32, #tpu.memory_space<hbm>>) dst(%arg10 : memref<16x1024xf32, #tpu.memory_space<vmem>>)
    %add3A_329 = arith.constant 48 : i32
    %add3A_330 = arith.addi %mul3A_2, %add3A_329 : i32
    %dma_start3A_331 = arith.constant 0 : i32
    %dma_start3A_332 = tpu.memref_slice %arg4[%add3A_330, %dma_start3A_331] : memref<8192x1024xf32, #tpu.memory_space<hbm>> -> memref<16x1024xf32, #tpu.memory_space<hbm>>
    %dma_start3A_333 = arith.constant 0 : i32
    %dma_start3A_334 = tpu.memref_slice %arg4[%add3A_330, %dma_start3A_333] : memref<8192x1024xf32, #tpu.memory_space<hbm>> -> memref<16x1024xf32, #tpu.memory_space<hbm>>
    tpu.enqueue_dma source(%arg10 : memref<16x1024xf32, #tpu.memory_space<vmem>>) target(%dma_start3A_334 : memref<16x1024xf32, #tpu.memory_space<hbm>>) target_semaphore(%arg22 : memref<!tpu.dma_semaphore, #tpu.memory_space<semaphore_mem>>)
    %add3A_335 = arith.constant 32 : i32
    %add3A_336 = arith.addi %mul3A_2, %add3A_335 : i32
    %dma_wait3A_337 = arith.constant 0 : i32
    %dma_wait3A_338 = tpu.memref_slice %arg4[%add3A_336, %dma_wait3A_337] : memref<8192x1024xf32, #tpu.memory_space<hbm>> -> memref<16x1024xf32, #tpu.memory_space<hbm>>
    %dma_wait3A_339 = arith.constant 0 : i32
    %dma_wait3A_340 = tpu.memref_slice %arg4[%add3A_336, %dma_wait3A_339] : memref<8192x1024xf32, #tpu.memory_space<hbm>> -> memref<16x1024xf32, #tpu.memory_space<hbm>>
    tpu.wait_dma2 semaphore(%arg21 : memref<!tpu.dma_semaphore, #tpu.memory_space<semaphore_mem>>) src(%arg9 : memref<16x1024xf32, #tpu.memory_space<vmem>>) dst(%dma_wait3A_340 : memref<16x1024xf32, #tpu.memory_space<hbm>>)
    %dma_start3A_341 = arith.constant 128 : i32
    %dma_start3A_342 = tpu.memref_slice %arg5[%dma_start3A_341] : memref<256xi32, #tpu.memory_space<vmem>> -> memref<16xi32, #tpu.memory_space<vmem>>
    %dma_start3A_343 = arith.constant 0 : i32
    %dma_start3A_344 = arith.constant 0 : i32
    %dma_start3A_345 = tpu.memref_slice %arg2[%dma_start3A_343, %dma_start3A_344] : memref<8192x1024xf32, #tpu.memory_space<hbm>> -> memref<8192x1024xf32, #tpu.memory_space<hbm>>
    tpu.enqueue_indirect_dma source(%dma_start3A_345 : memref<8192x1024xf32, #tpu.memory_space<hbm>>) target(%arg9 : memref<16x1024xf32, #tpu.memory_space<vmem>>) offsets(%dma_start3A_342 : memref<16xi32, #tpu.memory_space<vmem>>) semaphore(%arg15 : memref<!tpu.dma_semaphore, #tpu.memory_space<semaphore_mem>>)
    %dma_wait3A_346 = arith.constant 64 : i32
    %dma_wait3A_347 = tpu.memref_slice %arg5[%dma_wait3A_346] : memref<256xi32, #tpu.memory_space<vmem>> -> memref<16xi32, #tpu.memory_space<vmem>>
    %dma_wait3A_348 = arith.constant 0 : i32
    %dma_wait3A_349 = arith.constant 0 : i32
    %dma_wait3A_350 = tpu.memref_slice %arg2[%dma_wait3A_348, %dma_wait3A_349] : memref<8192x1024xf32, #tpu.memory_space<hbm>> -> memref<8192x1024xf32, #tpu.memory_space<hbm>>
    tpu.wait_indirect_dma semaphore(%arg17 : memref<!tpu.dma_semaphore, #tpu.memory_space<semaphore_mem>>) src(%dma_wait3A_350 : memref<8192x1024xf32, #tpu.memory_space<hbm>>) dst(%arg11 : memref<16x1024xf32, #tpu.memory_space<vmem>>)
    %add3A_351 = arith.constant 64 : i32
    %add3A_352 = arith.addi %mul3A_2, %add3A_351 : i32
    %dma_start3A_353 = arith.constant 0 : i32
    %dma_start3A_354 = tpu.memref_slice %arg4[%add3A_352, %dma_start3A_353] : memref<8192x1024xf32, #tpu.memory_space<hbm>> -> memref<16x1024xf32, #tpu.memory_space<hbm>>
    %dma_start3A_355 = arith.constant 0 : i32
    %dma_start3A_356 = tpu.memref_slice %arg4[%add3A_352, %dma_start3A_355] : memref<8192x1024xf32, #tpu.memory_space<hbm>> -> memref<16x1024xf32, #tpu.memory_space<hbm>>
    tpu.enqueue_dma source(%arg11 : memref<16x1024xf32, #tpu.memory_space<vmem>>) target(%dma_start3A_356 : memref<16x1024xf32, #tpu.memory_space<hbm>>) target_semaphore(%arg23 : memref<!tpu.dma_semaphore, #tpu.memory_space<semaphore_mem>>)
    %add3A_357 = arith.constant 48 : i32
    %add3A_358 = arith.addi %mul3A_2, %add3A_357 : i32
    %dma_wait3A_359 = arith.constant 0 : i32
    %dma_wait3A_360 = tpu.memref_slice %arg4[%add3A_358, %dma_wait3A_359] : memref<8192x1024xf32, #tpu.memory_space<hbm>> -> memref<16x1024xf32, #tpu.memory_space<hbm>>
    %dma_wait3A_361 = arith.constant 0 : i32
    %dma_wait3A_362 = tpu.memref_slice %arg4[%add3A_358, %dma_wait3A_361] : memref<8192x1024xf32, #tpu.memory_space<hbm>> -> memref<16x1024xf32, #tpu.memory_space<hbm>>
    tpu.wait_dma2 semaphore(%arg22 : memref<!tpu.dma_semaphore, #tpu.memory_space<semaphore_mem>>) src(%arg10 : memref<16x1024xf32, #tpu.memory_space<vmem>>) dst(%dma_wait3A_362 : memref<16x1024xf32, #tpu.memory_space<hbm>>)
    %dma_start3A_363 = arith.constant 144 : i32
    %dma_start3A_364 = tpu.memref_slice %arg5[%dma_start3A_363] : memref<256xi32, #tpu.memory_space<vmem>> -> memref<16xi32, #tpu.memory_space<vmem>>
    %dma_start3A_365 = arith.constant 0 : i32
    %dma_start3A_366 = arith.constant 0 : i32
    %dma_start3A_367 = tpu.memref_slice %arg2[%dma_start3A_365, %dma_start3A_366] : memref<8192x1024xf32, #tpu.memory_space<hbm>> -> memref<8192x1024xf32, #tpu.memory_space<hbm>>
    tpu.enqueue_indirect_dma source(%dma_start3A_367 : memref<8192x1024xf32, #tpu.memory_space<hbm>>) target(%arg10 : memref<16x1024xf32, #tpu.memory_space<vmem>>) offsets(%dma_start3A_364 : memref<16xi32, #tpu.memory_space<vmem>>) semaphore(%arg16 : memref<!tpu.dma_semaphore, #tpu.memory_space<semaphore_mem>>)
    %dma_wait3A_368 = arith.constant 80 : i32
    %dma_wait3A_369 = tpu.memref_slice %arg5[%dma_wait3A_368] : memref<256xi32, #tpu.memory_space<vmem>> -> memref<16xi32, #tpu.memory_space<vmem>>
    %dma_wait3A_370 = arith.constant 0 : i32
    %dma_wait3A_371 = arith.constant 0 : i32
    %dma_wait3A_372 = tpu.memref_slice %arg2[%dma_wait3A_370, %dma_wait3A_371] : memref<8192x1024xf32, #tpu.memory_space<hbm>> -> memref<8192x1024xf32, #tpu.memory_space<hbm>>
    tpu.wait_indirect_dma semaphore(%arg18 : memref<!tpu.dma_semaphore, #tpu.memory_space<semaphore_mem>>) src(%dma_wait3A_372 : memref<8192x1024xf32, #tpu.memory_space<hbm>>) dst(%arg12 : memref<16x1024xf32, #tpu.memory_space<vmem>>)
    %add3A_373 = arith.constant 80 : i32
    %add3A_374 = arith.addi %mul3A_2, %add3A_373 : i32
    %dma_start3A_375 = arith.constant 0 : i32
    %dma_start3A_376 = tpu.memref_slice %arg4[%add3A_374, %dma_start3A_375] : memref<8192x1024xf32, #tpu.memory_space<hbm>> -> memref<16x1024xf32, #tpu.memory_space<hbm>>
    %dma_start3A_377 = arith.constant 0 : i32
    %dma_start3A_378 = tpu.memref_slice %arg4[%add3A_374, %dma_start3A_377] : memref<8192x1024xf32, #tpu.memory_space<hbm>> -> memref<16x1024xf32, #tpu.memory_space<hbm>>
    tpu.enqueue_dma source(%arg12 : memref<16x1024xf32, #tpu.memory_space<vmem>>) target(%dma_start3A_378 : memref<16x1024xf32, #tpu.memory_space<hbm>>) target_semaphore(%arg24 : memref<!tpu.dma_semaphore, #tpu.memory_space<semaphore_mem>>)
    %add3A_379 = arith.constant 64 : i32
    %add3A_380 = arith.addi %mul3A_2, %add3A_379 : i32
    %dma_wait3A_381 = arith.constant 0 : i32
    %dma_wait3A_382 = tpu.memref_slice %arg4[%add3A_380, %dma_wait3A_381] : memref<8192x1024xf32, #tpu.memory_space<hbm>> -> memref<16x1024xf32, #tpu.memory_space<hbm>>
    %dma_wait3A_383 = arith.constant 0 : i32
    %dma_wait3A_384 = tpu.memref_slice %arg4[%add3A_380, %dma_wait3A_383] : memref<8192x1024xf32, #tpu.memory_space<hbm>> -> memref<16x1024xf32, #tpu.memory_space<hbm>>
    tpu.wait_dma2 semaphore(%arg23 : memref<!tpu.dma_semaphore, #tpu.memory_space<semaphore_mem>>) src(%arg11 : memref<16x1024xf32, #tpu.memory_space<vmem>>) dst(%dma_wait3A_384 : memref<16x1024xf32, #tpu.memory_space<hbm>>)
    %dma_start3A_385 = arith.constant 160 : i32
    %dma_start3A_386 = tpu.memref_slice %arg5[%dma_start3A_385] : memref<256xi32, #tpu.memory_space<vmem>> -> memref<16xi32, #tpu.memory_space<vmem>>
    %dma_start3A_387 = arith.constant 0 : i32
    %dma_start3A_388 = arith.constant 0 : i32
    %dma_start3A_389 = tpu.memref_slice %arg2[%dma_start3A_387, %dma_start3A_388] : memref<8192x1024xf32, #tpu.memory_space<hbm>> -> memref<8192x1024xf32, #tpu.memory_space<hbm>>
    tpu.enqueue_indirect_dma source(%dma_start3A_389 : memref<8192x1024xf32, #tpu.memory_space<hbm>>) target(%arg11 : memref<16x1024xf32, #tpu.memory_space<vmem>>) offsets(%dma_start3A_386 : memref<16xi32, #tpu.memory_space<vmem>>) semaphore(%arg17 : memref<!tpu.dma_semaphore, #tpu.memory_space<semaphore_mem>>)
    %dma_wait3A_390 = arith.constant 96 : i32
    %dma_wait3A_391 = tpu.memref_slice %arg5[%dma_wait3A_390] : memref<256xi32, #tpu.memory_space<vmem>> -> memref<16xi32, #tpu.memory_space<vmem>>
    %dma_wait3A_392 = arith.constant 0 : i32
    %dma_wait3A_393 = arith.constant 0 : i32
    %dma_wait3A_394 = tpu.memref_slice %arg2[%dma_wait3A_392, %dma_wait3A_393] : memref<8192x1024xf32, #tpu.memory_space<hbm>> -> memref<8192x1024xf32, #tpu.memory_space<hbm>>
    tpu.wait_indirect_dma semaphore(%arg13 : memref<!tpu.dma_semaphore, #tpu.memory_space<semaphore_mem>>) src(%dma_wait3A_394 : memref<8192x1024xf32, #tpu.memory_space<hbm>>) dst(%arg7 : memref<16x1024xf32, #tpu.memory_space<vmem>>)
    %add3A_395 = arith.constant 96 : i32
    %add3A_396 = arith.addi %mul3A_2, %add3A_395 : i32
    %dma_start3A_397 = arith.constant 0 : i32
    %dma_start3A_398 = tpu.memref_slice %arg4[%add3A_396, %dma_start3A_397] : memref<8192x1024xf32, #tpu.memory_space<hbm>> -> memref<16x1024xf32, #tpu.memory_space<hbm>>
    %dma_start3A_399 = arith.constant 0 : i32
    %dma_start3A_400 = tpu.memref_slice %arg4[%add3A_396, %dma_start3A_399] : memref<8192x1024xf32, #tpu.memory_space<hbm>> -> memref<16x1024xf32, #tpu.memory_space<hbm>>
    tpu.enqueue_dma source(%arg7 : memref<16x1024xf32, #tpu.memory_space<vmem>>) target(%dma_start3A_400 : memref<16x1024xf32, #tpu.memory_space<hbm>>) target_semaphore(%arg19 : memref<!tpu.dma_semaphore, #tpu.memory_space<semaphore_mem>>)
    %add3A_401 = arith.constant 80 : i32
    %add3A_402 = arith.addi %mul3A_2, %add3A_401 : i32
    %dma_wait3A_403 = arith.constant 0 : i32
    %dma_wait3A_404 = tpu.memref_slice %arg4[%add3A_402, %dma_wait3A_403] : memref<8192x1024xf32, #tpu.memory_space<hbm>> -> memref<16x1024xf32, #tpu.memory_space<hbm>>
    %dma_wait3A_405 = arith.constant 0 : i32
    %dma_wait3A_406 = tpu.memref_slice %arg4[%add3A_402, %dma_wait3A_405] : memref<8192x1024xf32, #tpu.memory_space<hbm>> -> memref<16x1024xf32, #tpu.memory_space<hbm>>
    tpu.wait_dma2 semaphore(%arg24 : memref<!tpu.dma_semaphore, #tpu.memory_space<semaphore_mem>>) src(%arg12 : memref<16x1024xf32, #tpu.memory_space<vmem>>) dst(%dma_wait3A_406 : memref<16x1024xf32, #tpu.memory_space<hbm>>)
    %dma_start3A_407 = arith.constant 176 : i32
    %dma_start3A_408 = tpu.memref_slice %arg5[%dma_start3A_407] : memref<256xi32, #tpu.memory_space<vmem>> -> memref<16xi32, #tpu.memory_space<vmem>>
    %dma_start3A_409 = arith.constant 0 : i32
    %dma_start3A_410 = arith.constant 0 : i32
    %dma_start3A_411 = tpu.memref_slice %arg2[%dma_start3A_409, %dma_start3A_410] : memref<8192x1024xf32, #tpu.memory_space<hbm>> -> memref<8192x1024xf32, #tpu.memory_space<hbm>>
    tpu.enqueue_indirect_dma source(%dma_start3A_411 : memref<8192x1024xf32, #tpu.memory_space<hbm>>) target(%arg12 : memref<16x1024xf32, #tpu.memory_space<vmem>>) offsets(%dma_start3A_408 : memref<16xi32, #tpu.memory_space<vmem>>) semaphore(%arg18 : memref<!tpu.dma_semaphore, #tpu.memory_space<semaphore_mem>>)
    %dma_wait3A_412 = arith.constant 112 : i32
    %dma_wait3A_413 = tpu.memref_slice %arg5[%dma_wait3A_412] : memref<256xi32, #tpu.memory_space<vmem>> -> memref<16xi32, #tpu.memory_space<vmem>>
    %dma_wait3A_414 = arith.constant 0 : i32
    %dma_wait3A_415 = arith.constant 0 : i32
    %dma_wait3A_416 = tpu.memref_slice %arg2[%dma_wait3A_414, %dma_wait3A_415] : memref<8192x1024xf32, #tpu.memory_space<hbm>> -> memref<8192x1024xf32, #tpu.memory_space<hbm>>
    tpu.wait_indirect_dma semaphore(%arg14 : memref<!tpu.dma_semaphore, #tpu.memory_space<semaphore_mem>>) src(%dma_wait3A_416 : memref<8192x1024xf32, #tpu.memory_space<hbm>>) dst(%arg8 : memref<16x1024xf32, #tpu.memory_space<vmem>>)
    %add3A_417 = arith.constant 112 : i32
    %add3A_418 = arith.addi %mul3A_2, %add3A_417 : i32
    %dma_start3A_419 = arith.constant 0 : i32
    %dma_start3A_420 = tpu.memref_slice %arg4[%add3A_418, %dma_start3A_419] : memref<8192x1024xf32, #tpu.memory_space<hbm>> -> memref<16x1024xf32, #tpu.memory_space<hbm>>
    %dma_start3A_421 = arith.constant 0 : i32
    %dma_start3A_422 = tpu.memref_slice %arg4[%add3A_418, %dma_start3A_421] : memref<8192x1024xf32, #tpu.memory_space<hbm>> -> memref<16x1024xf32, #tpu.memory_space<hbm>>
    tpu.enqueue_dma source(%arg8 : memref<16x1024xf32, #tpu.memory_space<vmem>>) target(%dma_start3A_422 : memref<16x1024xf32, #tpu.memory_space<hbm>>) target_semaphore(%arg20 : memref<!tpu.dma_semaphore, #tpu.memory_space<semaphore_mem>>)
    %add3A_423 = arith.constant 96 : i32
    %add3A_424 = arith.addi %mul3A_2, %add3A_423 : i32
    %dma_wait3A_425 = arith.constant 0 : i32
    %dma_wait3A_426 = tpu.memref_slice %arg4[%add3A_424, %dma_wait3A_425] : memref<8192x1024xf32, #tpu.memory_space<hbm>> -> memref<16x1024xf32, #tpu.memory_space<hbm>>
    %dma_wait3A_427 = arith.constant 0 : i32
    %dma_wait3A_428 = tpu.memref_slice %arg4[%add3A_424, %dma_wait3A_427] : memref<8192x1024xf32, #tpu.memory_space<hbm>> -> memref<16x1024xf32, #tpu.memory_space<hbm>>
    tpu.wait_dma2 semaphore(%arg19 : memref<!tpu.dma_semaphore, #tpu.memory_space<semaphore_mem>>) src(%arg7 : memref<16x1024xf32, #tpu.memory_space<vmem>>) dst(%dma_wait3A_428 : memref<16x1024xf32, #tpu.memory_space<hbm>>)
    %dma_start3A_429 = arith.constant 192 : i32
    %dma_start3A_430 = tpu.memref_slice %arg5[%dma_start3A_429] : memref<256xi32, #tpu.memory_space<vmem>> -> memref<16xi32, #tpu.memory_space<vmem>>
    %dma_start3A_431 = arith.constant 0 : i32
    %dma_start3A_432 = arith.constant 0 : i32
    %dma_start3A_433 = tpu.memref_slice %arg2[%dma_start3A_431, %dma_start3A_432] : memref<8192x1024xf32, #tpu.memory_space<hbm>> -> memref<8192x1024xf32, #tpu.memory_space<hbm>>
    tpu.enqueue_indirect_dma source(%dma_start3A_433 : memref<8192x1024xf32, #tpu.memory_space<hbm>>) target(%arg7 : memref<16x1024xf32, #tpu.memory_space<vmem>>) offsets(%dma_start3A_430 : memref<16xi32, #tpu.memory_space<vmem>>) semaphore(%arg13 : memref<!tpu.dma_semaphore, #tpu.memory_space<semaphore_mem>>)
    %dma_wait3A_434 = arith.constant 128 : i32
    %dma_wait3A_435 = tpu.memref_slice %arg5[%dma_wait3A_434] : memref<256xi32, #tpu.memory_space<vmem>> -> memref<16xi32, #tpu.memory_space<vmem>>
    %dma_wait3A_436 = arith.constant 0 : i32
    %dma_wait3A_437 = arith.constant 0 : i32
    %dma_wait3A_438 = tpu.memref_slice %arg2[%dma_wait3A_436, %dma_wait3A_437] : memref<8192x1024xf32, #tpu.memory_space<hbm>> -> memref<8192x1024xf32, #tpu.memory_space<hbm>>
    tpu.wait_indirect_dma semaphore(%arg15 : memref<!tpu.dma_semaphore, #tpu.memory_space<semaphore_mem>>) src(%dma_wait3A_438 : memref<8192x1024xf32, #tpu.memory_space<hbm>>) dst(%arg9 : memref<16x1024xf32, #tpu.memory_space<vmem>>)
    %add3A_439 = arith.constant 128 : i32
    %add3A_440 = arith.addi %mul3A_2, %add3A_439 : i32
    %dma_start3A_441 = arith.constant 0 : i32
    %dma_start3A_442 = tpu.memref_slice %arg4[%add3A_440, %dma_start3A_441] : memref<8192x1024xf32, #tpu.memory_space<hbm>> -> memref<16x1024xf32, #tpu.memory_space<hbm>>
    %dma_start3A_443 = arith.constant 0 : i32
    %dma_start3A_444 = tpu.memref_slice %arg4[%add3A_440, %dma_start3A_443] : memref<8192x1024xf32, #tpu.memory_space<hbm>> -> memref<16x1024xf32, #tpu.memory_space<hbm>>
    tpu.enqueue_dma source(%arg9 : memref<16x1024xf32, #tpu.memory_space<vmem>>) target(%dma_start3A_444 : memref<16x1024xf32, #tpu.memory_space<hbm>>) target_semaphore(%arg21 : memref<!tpu.dma_semaphore, #tpu.memory_space<semaphore_mem>>)
    %add3A_445 = arith.constant 112 : i32
    %add3A_446 = arith.addi %mul3A_2, %add3A_445 : i32
    %dma_wait3A_447 = arith.constant 0 : i32
    %dma_wait3A_448 = tpu.memref_slice %arg4[%add3A_446, %dma_wait3A_447] : memref<8192x1024xf32, #tpu.memory_space<hbm>> -> memref<16x1024xf32, #tpu.memory_space<hbm>>
    %dma_wait3A_449 = arith.constant 0 : i32
    %dma_wait3A_450 = tpu.memref_slice %arg4[%add3A_446, %dma_wait3A_449] : memref<8192x1024xf32, #tpu.memory_space<hbm>> -> memref<16x1024xf32, #tpu.memory_space<hbm>>
    tpu.wait_dma2 semaphore(%arg20 : memref<!tpu.dma_semaphore, #tpu.memory_space<semaphore_mem>>) src(%arg8 : memref<16x1024xf32, #tpu.memory_space<vmem>>) dst(%dma_wait3A_450 : memref<16x1024xf32, #tpu.memory_space<hbm>>)
    %dma_start3A_451 = arith.constant 208 : i32
    %dma_start3A_452 = tpu.memref_slice %arg5[%dma_start3A_451] : memref<256xi32, #tpu.memory_space<vmem>> -> memref<16xi32, #tpu.memory_space<vmem>>
    %dma_start3A_453 = arith.constant 0 : i32
    %dma_start3A_454 = arith.constant 0 : i32
    %dma_start3A_455 = tpu.memref_slice %arg2[%dma_start3A_453, %dma_start3A_454] : memref<8192x1024xf32, #tpu.memory_space<hbm>> -> memref<8192x1024xf32, #tpu.memory_space<hbm>>
    tpu.enqueue_indirect_dma source(%dma_start3A_455 : memref<8192x1024xf32, #tpu.memory_space<hbm>>) target(%arg8 : memref<16x1024xf32, #tpu.memory_space<vmem>>) offsets(%dma_start3A_452 : memref<16xi32, #tpu.memory_space<vmem>>) semaphore(%arg14 : memref<!tpu.dma_semaphore, #tpu.memory_space<semaphore_mem>>)
    %dma_wait3A_456 = arith.constant 144 : i32
    %dma_wait3A_457 = tpu.memref_slice %arg5[%dma_wait3A_456] : memref<256xi32, #tpu.memory_space<vmem>> -> memref<16xi32, #tpu.memory_space<vmem>>
    %dma_wait3A_458 = arith.constant 0 : i32
    %dma_wait3A_459 = arith.constant 0 : i32
    %dma_wait3A_460 = tpu.memref_slice %arg2[%dma_wait3A_458, %dma_wait3A_459] : memref<8192x1024xf32, #tpu.memory_space<hbm>> -> memref<8192x1024xf32, #tpu.memory_space<hbm>>
    tpu.wait_indirect_dma semaphore(%arg16 : memref<!tpu.dma_semaphore, #tpu.memory_space<semaphore_mem>>) src(%dma_wait3A_460 : memref<8192x1024xf32, #tpu.memory_space<hbm>>) dst(%arg10 : memref<16x1024xf32, #tpu.memory_space<vmem>>)
    %add3A_461 = arith.constant 144 : i32
    %add3A_462 = arith.addi %mul3A_2, %add3A_461 : i32
    %dma_start3A_463 = arith.constant 0 : i32
    %dma_start3A_464 = tpu.memref_slice %arg4[%add3A_462, %dma_start3A_463] : memref<8192x1024xf32, #tpu.memory_space<hbm>> -> memref<16x1024xf32, #tpu.memory_space<hbm>>
    %dma_start3A_465 = arith.constant 0 : i32
    %dma_start3A_466 = tpu.memref_slice %arg4[%add3A_462, %dma_start3A_465] : memref<8192x1024xf32, #tpu.memory_space<hbm>> -> memref<16x1024xf32, #tpu.memory_space<hbm>>
    tpu.enqueue_dma source(%arg10 : memref<16x1024xf32, #tpu.memory_space<vmem>>) target(%dma_start3A_466 : memref<16x1024xf32, #tpu.memory_space<hbm>>) target_semaphore(%arg22 : memref<!tpu.dma_semaphore, #tpu.memory_space<semaphore_mem>>)
    %add3A_467 = arith.constant 128 : i32
    %add3A_468 = arith.addi %mul3A_2, %add3A_467 : i32
    %dma_wait3A_469 = arith.constant 0 : i32
    %dma_wait3A_470 = tpu.memref_slice %arg4[%add3A_468, %dma_wait3A_469] : memref<8192x1024xf32, #tpu.memory_space<hbm>> -> memref<16x1024xf32, #tpu.memory_space<hbm>>
    %dma_wait3A_471 = arith.constant 0 : i32
    %dma_wait3A_472 = tpu.memref_slice %arg4[%add3A_468, %dma_wait3A_471] : memref<8192x1024xf32, #tpu.memory_space<hbm>> -> memref<16x1024xf32, #tpu.memory_space<hbm>>
    tpu.wait_dma2 semaphore(%arg21 : memref<!tpu.dma_semaphore, #tpu.memory_space<semaphore_mem>>) src(%arg9 : memref<16x1024xf32, #tpu.memory_space<vmem>>) dst(%dma_wait3A_472 : memref<16x1024xf32, #tpu.memory_space<hbm>>)
    %dma_start3A_473 = arith.constant 224 : i32
    %dma_start3A_474 = tpu.memref_slice %arg5[%dma_start3A_473] : memref<256xi32, #tpu.memory_space<vmem>> -> memref<16xi32, #tpu.memory_space<vmem>>
    %dma_start3A_475 = arith.constant 0 : i32
    %dma_start3A_476 = arith.constant 0 : i32
    %dma_start3A_477 = tpu.memref_slice %arg2[%dma_start3A_475, %dma_start3A_476] : memref<8192x1024xf32, #tpu.memory_space<hbm>> -> memref<8192x1024xf32, #tpu.memory_space<hbm>>
    tpu.enqueue_indirect_dma source(%dma_start3A_477 : memref<8192x1024xf32, #tpu.memory_space<hbm>>) target(%arg9 : memref<16x1024xf32, #tpu.memory_space<vmem>>) offsets(%dma_start3A_474 : memref<16xi32, #tpu.memory_space<vmem>>) semaphore(%arg15 : memref<!tpu.dma_semaphore, #tpu.memory_space<semaphore_mem>>)
    %dma_wait3A_478 = arith.constant 160 : i32
    %dma_wait3A_479 = tpu.memref_slice %arg5[%dma_wait3A_478] : memref<256xi32, #tpu.memory_space<vmem>> -> memref<16xi32, #tpu.memory_space<vmem>>
    %dma_wait3A_480 = arith.constant 0 : i32
    %dma_wait3A_481 = arith.constant 0 : i32
    %dma_wait3A_482 = tpu.memref_slice %arg2[%dma_wait3A_480, %dma_wait3A_481] : memref<8192x1024xf32, #tpu.memory_space<hbm>> -> memref<8192x1024xf32, #tpu.memory_space<hbm>>
    tpu.wait_indirect_dma semaphore(%arg17 : memref<!tpu.dma_semaphore, #tpu.memory_space<semaphore_mem>>) src(%dma_wait3A_482 : memref<8192x1024xf32, #tpu.memory_space<hbm>>) dst(%arg11 : memref<16x1024xf32, #tpu.memory_space<vmem>>)
    %add3A_483 = arith.constant 160 : i32
    %add3A_484 = arith.addi %mul3A_2, %add3A_483 : i32
    %dma_start3A_485 = arith.constant 0 : i32
    %dma_start3A_486 = tpu.memref_slice %arg4[%add3A_484, %dma_start3A_485] : memref<8192x1024xf32, #tpu.memory_space<hbm>> -> memref<16x1024xf32, #tpu.memory_space<hbm>>
    %dma_start3A_487 = arith.constant 0 : i32
    %dma_start3A_488 = tpu.memref_slice %arg4[%add3A_484, %dma_start3A_487] : memref<8192x1024xf32, #tpu.memory_space<hbm>> -> memref<16x1024xf32, #tpu.memory_space<hbm>>
    tpu.enqueue_dma source(%arg11 : memref<16x1024xf32, #tpu.memory_space<vmem>>) target(%dma_start3A_488 : memref<16x1024xf32, #tpu.memory_space<hbm>>) target_semaphore(%arg23 : memref<!tpu.dma_semaphore, #tpu.memory_space<semaphore_mem>>)
    %add3A_489 = arith.constant 144 : i32
    %add3A_490 = arith.addi %mul3A_2, %add3A_489 : i32
    %dma_wait3A_491 = arith.constant 0 : i32
    %dma_wait3A_492 = tpu.memref_slice %arg4[%add3A_490, %dma_wait3A_491] : memref<8192x1024xf32, #tpu.memory_space<hbm>> -> memref<16x1024xf32, #tpu.memory_space<hbm>>
    %dma_wait3A_493 = arith.constant 0 : i32
    %dma_wait3A_494 = tpu.memref_slice %arg4[%add3A_490, %dma_wait3A_493] : memref<8192x1024xf32, #tpu.memory_space<hbm>> -> memref<16x1024xf32, #tpu.memory_space<hbm>>
    tpu.wait_dma2 semaphore(%arg22 : memref<!tpu.dma_semaphore, #tpu.memory_space<semaphore_mem>>) src(%arg10 : memref<16x1024xf32, #tpu.memory_space<vmem>>) dst(%dma_wait3A_494 : memref<16x1024xf32, #tpu.memory_space<hbm>>)
    %dma_start3A_495 = arith.constant 240 : i32
    %dma_start3A_496 = tpu.memref_slice %arg5[%dma_start3A_495] : memref<256xi32, #tpu.memory_space<vmem>> -> memref<16xi32, #tpu.memory_space<vmem>>
    %dma_start3A_497 = arith.constant 0 : i32
    %dma_start3A_498 = arith.constant 0 : i32
    %dma_start3A_499 = tpu.memref_slice %arg2[%dma_start3A_497, %dma_start3A_498] : memref<8192x1024xf32, #tpu.memory_space<hbm>> -> memref<8192x1024xf32, #tpu.memory_space<hbm>>
    tpu.enqueue_indirect_dma source(%dma_start3A_499 : memref<8192x1024xf32, #tpu.memory_space<hbm>>) target(%arg10 : memref<16x1024xf32, #tpu.memory_space<vmem>>) offsets(%dma_start3A_496 : memref<16xi32, #tpu.memory_space<vmem>>) semaphore(%arg16 : memref<!tpu.dma_semaphore, #tpu.memory_space<semaphore_mem>>)
    %dma_wait3A_500 = arith.constant 176 : i32
    %dma_wait3A_501 = tpu.memref_slice %arg5[%dma_wait3A_500] : memref<256xi32, #tpu.memory_space<vmem>> -> memref<16xi32, #tpu.memory_space<vmem>>
    %dma_wait3A_502 = arith.constant 0 : i32
    %dma_wait3A_503 = arith.constant 0 : i32
    %dma_wait3A_504 = tpu.memref_slice %arg2[%dma_wait3A_502, %dma_wait3A_503] : memref<8192x1024xf32, #tpu.memory_space<hbm>> -> memref<8192x1024xf32, #tpu.memory_space<hbm>>
    tpu.wait_indirect_dma semaphore(%arg18 : memref<!tpu.dma_semaphore, #tpu.memory_space<semaphore_mem>>) src(%dma_wait3A_504 : memref<8192x1024xf32, #tpu.memory_space<hbm>>) dst(%arg12 : memref<16x1024xf32, #tpu.memory_space<vmem>>)
    %add3A_505 = arith.constant 176 : i32
    %add3A_506 = arith.addi %mul3A_2, %add3A_505 : i32
    %dma_start3A_507 = arith.constant 0 : i32
    %dma_start3A_508 = tpu.memref_slice %arg4[%add3A_506, %dma_start3A_507] : memref<8192x1024xf32, #tpu.memory_space<hbm>> -> memref<16x1024xf32, #tpu.memory_space<hbm>>
    %dma_start3A_509 = arith.constant 0 : i32
    %dma_start3A_510 = tpu.memref_slice %arg4[%add3A_506, %dma_start3A_509] : memref<8192x1024xf32, #tpu.memory_space<hbm>> -> memref<16x1024xf32, #tpu.memory_space<hbm>>
    tpu.enqueue_dma source(%arg12 : memref<16x1024xf32, #tpu.memory_space<vmem>>) target(%dma_start3A_510 : memref<16x1024xf32, #tpu.memory_space<hbm>>) target_semaphore(%arg24 : memref<!tpu.dma_semaphore, #tpu.memory_space<semaphore_mem>>)
    %dma_wait3A_511 = arith.constant 192 : i32
    %dma_wait3A_512 = tpu.memref_slice %arg5[%dma_wait3A_511] : memref<256xi32, #tpu.memory_space<vmem>> -> memref<16xi32, #tpu.memory_space<vmem>>
    %dma_wait3A_513 = arith.constant 0 : i32
    %dma_wait3A_514 = arith.constant 0 : i32
    %dma_wait3A_515 = tpu.memref_slice %arg2[%dma_wait3A_513, %dma_wait3A_514] : memref<8192x1024xf32, #tpu.memory_space<hbm>> -> memref<8192x1024xf32, #tpu.memory_space<hbm>>
    tpu.wait_indirect_dma semaphore(%arg13 : memref<!tpu.dma_semaphore, #tpu.memory_space<semaphore_mem>>) src(%dma_wait3A_515 : memref<8192x1024xf32, #tpu.memory_space<hbm>>) dst(%arg7 : memref<16x1024xf32, #tpu.memory_space<vmem>>)
    %add3A_516 = arith.constant 192 : i32
    %add3A_517 = arith.addi %mul3A_2, %add3A_516 : i32
    %dma_start3A_518 = arith.constant 0 : i32
    %dma_start3A_519 = tpu.memref_slice %arg4[%add3A_517, %dma_start3A_518] : memref<8192x1024xf32, #tpu.memory_space<hbm>> -> memref<16x1024xf32, #tpu.memory_space<hbm>>
    %dma_start3A_520 = arith.constant 0 : i32
    %dma_start3A_521 = tpu.memref_slice %arg4[%add3A_517, %dma_start3A_520] : memref<8192x1024xf32, #tpu.memory_space<hbm>> -> memref<16x1024xf32, #tpu.memory_space<hbm>>
    tpu.enqueue_dma source(%arg7 : memref<16x1024xf32, #tpu.memory_space<vmem>>) target(%dma_start3A_521 : memref<16x1024xf32, #tpu.memory_space<hbm>>) target_semaphore(%arg19 : memref<!tpu.dma_semaphore, #tpu.memory_space<semaphore_mem>>)
    %dma_wait3A_522 = arith.constant 208 : i32
    %dma_wait3A_523 = tpu.memref_slice %arg5[%dma_wait3A_522] : memref<256xi32, #tpu.memory_space<vmem>> -> memref<16xi32, #tpu.memory_space<vmem>>
    %dma_wait3A_524 = arith.constant 0 : i32
    %dma_wait3A_525 = arith.constant 0 : i32
    %dma_wait3A_526 = tpu.memref_slice %arg2[%dma_wait3A_524, %dma_wait3A_525] : memref<8192x1024xf32, #tpu.memory_space<hbm>> -> memref<8192x1024xf32, #tpu.memory_space<hbm>>
    tpu.wait_indirect_dma semaphore(%arg14 : memref<!tpu.dma_semaphore, #tpu.memory_space<semaphore_mem>>) src(%dma_wait3A_526 : memref<8192x1024xf32, #tpu.memory_space<hbm>>) dst(%arg8 : memref<16x1024xf32, #tpu.memory_space<vmem>>)
    %add3A_527 = arith.constant 208 : i32
    %add3A_528 = arith.addi %mul3A_2, %add3A_527 : i32
    %dma_start3A_529 = arith.constant 0 : i32
    %dma_start3A_530 = tpu.memref_slice %arg4[%add3A_528, %dma_start3A_529] : memref<8192x1024xf32, #tpu.memory_space<hbm>> -> memref<16x1024xf32, #tpu.memory_space<hbm>>
    %dma_start3A_531 = arith.constant 0 : i32
    %dma_start3A_532 = tpu.memref_slice %arg4[%add3A_528, %dma_start3A_531] : memref<8192x1024xf32, #tpu.memory_space<hbm>> -> memref<16x1024xf32, #tpu.memory_space<hbm>>
    tpu.enqueue_dma source(%arg8 : memref<16x1024xf32, #tpu.memory_space<vmem>>) target(%dma_start3A_532 : memref<16x1024xf32, #tpu.memory_space<hbm>>) target_semaphore(%arg20 : memref<!tpu.dma_semaphore, #tpu.memory_space<semaphore_mem>>)
    %dma_wait3A_533 = arith.constant 224 : i32
    %dma_wait3A_534 = tpu.memref_slice %arg5[%dma_wait3A_533] : memref<256xi32, #tpu.memory_space<vmem>> -> memref<16xi32, #tpu.memory_space<vmem>>
    %dma_wait3A_535 = arith.constant 0 : i32
    %dma_wait3A_536 = arith.constant 0 : i32
    %dma_wait3A_537 = tpu.memref_slice %arg2[%dma_wait3A_535, %dma_wait3A_536] : memref<8192x1024xf32, #tpu.memory_space<hbm>> -> memref<8192x1024xf32, #tpu.memory_space<hbm>>
    tpu.wait_indirect_dma semaphore(%arg15 : memref<!tpu.dma_semaphore, #tpu.memory_space<semaphore_mem>>) src(%dma_wait3A_537 : memref<8192x1024xf32, #tpu.memory_space<hbm>>) dst(%arg9 : memref<16x1024xf32, #tpu.memory_space<vmem>>)
    %add3A_538 = arith.constant 224 : i32
    %add3A_539 = arith.addi %mul3A_2, %add3A_538 : i32
    %dma_start3A_540 = arith.constant 0 : i32
    %dma_start3A_541 = tpu.memref_slice %arg4[%add3A_539, %dma_start3A_540] : memref<8192x1024xf32, #tpu.memory_space<hbm>> -> memref<16x1024xf32, #tpu.memory_space<hbm>>
    %dma_start3A_542 = arith.constant 0 : i32
    %dma_start3A_543 = tpu.memref_slice %arg4[%add3A_539, %dma_start3A_542] : memref<8192x1024xf32, #tpu.memory_space<hbm>> -> memref<16x1024xf32, #tpu.memory_space<hbm>>
    tpu.enqueue_dma source(%arg9 : memref<16x1024xf32, #tpu.memory_space<vmem>>) target(%dma_start3A_543 : memref<16x1024xf32, #tpu.memory_space<hbm>>) target_semaphore(%arg21 : memref<!tpu.dma_semaphore, #tpu.memory_space<semaphore_mem>>)
    %dma_wait3A_544 = arith.constant 240 : i32
    %dma_wait3A_545 = tpu.memref_slice %arg5[%dma_wait3A_544] : memref<256xi32, #tpu.memory_space<vmem>> -> memref<16xi32, #tpu.memory_space<vmem>>
    %dma_wait3A_546 = arith.constant 0 : i32
    %dma_wait3A_547 = arith.constant 0 : i32
    %dma_wait3A_548 = tpu.memref_slice %arg2[%dma_wait3A_546, %dma_wait3A_547] : memref<8192x1024xf32, #tpu.memory_space<hbm>> -> memref<8192x1024xf32, #tpu.memory_space<hbm>>
    tpu.wait_indirect_dma semaphore(%arg16 : memref<!tpu.dma_semaphore, #tpu.memory_space<semaphore_mem>>) src(%dma_wait3A_548 : memref<8192x1024xf32, #tpu.memory_space<hbm>>) dst(%arg10 : memref<16x1024xf32, #tpu.memory_space<vmem>>)
    %add3A_549 = arith.constant 240 : i32
    %add3A_550 = arith.addi %mul3A_2, %add3A_549 : i32
    %dma_start3A_551 = arith.constant 0 : i32
    %dma_start3A_552 = tpu.memref_slice %arg4[%add3A_550, %dma_start3A_551] : memref<8192x1024xf32, #tpu.memory_space<hbm>> -> memref<16x1024xf32, #tpu.memory_space<hbm>>
    %dma_start3A_553 = arith.constant 0 : i32
    %dma_start3A_554 = tpu.memref_slice %arg4[%add3A_550, %dma_start3A_553] : memref<8192x1024xf32, #tpu.memory_space<hbm>> -> memref<16x1024xf32, #tpu.memory_space<hbm>>
    tpu.enqueue_dma source(%arg10 : memref<16x1024xf32, #tpu.memory_space<vmem>>) target(%dma_start3A_554 : memref<16x1024xf32, #tpu.memory_space<hbm>>) target_semaphore(%arg22 : memref<!tpu.dma_semaphore, #tpu.memory_space<semaphore_mem>>)
    %add3A_555 = arith.constant 160 : i32
    %add3A_556 = arith.addi %mul3A_2, %add3A_555 : i32
    %dma_wait3A_557 = arith.constant 0 : i32
    %dma_wait3A_558 = tpu.memref_slice %arg4[%add3A_556, %dma_wait3A_557] : memref<8192x1024xf32, #tpu.memory_space<hbm>> -> memref<16x1024xf32, #tpu.memory_space<hbm>>
    %dma_wait3A_559 = arith.constant 0 : i32
    %dma_wait3A_560 = tpu.memref_slice %arg4[%add3A_556, %dma_wait3A_559] : memref<8192x1024xf32, #tpu.memory_space<hbm>> -> memref<16x1024xf32, #tpu.memory_space<hbm>>
    tpu.wait_dma2 semaphore(%arg23 : memref<!tpu.dma_semaphore, #tpu.memory_space<semaphore_mem>>) src(%arg11 : memref<16x1024xf32, #tpu.memory_space<vmem>>) dst(%dma_wait3A_560 : memref<16x1024xf32, #tpu.memory_space<hbm>>)
    %add3A_561 = arith.constant 176 : i32
    %add3A_562 = arith.addi %mul3A_2, %add3A_561 : i32
    %dma_wait3A_563 = arith.constant 0 : i32
    %dma_wait3A_564 = tpu.memref_slice %arg4[%add3A_562, %dma_wait3A_563] : memref<8192x1024xf32, #tpu.memory_space<hbm>> -> memref<16x1024xf32, #tpu.memory_space<hbm>>
    %dma_wait3A_565 = arith.constant 0 : i32
    %dma_wait3A_566 = tpu.memref_slice %arg4[%add3A_562, %dma_wait3A_565] : memref<8192x1024xf32, #tpu.memory_space<hbm>> -> memref<16x1024xf32, #tpu.memory_space<hbm>>
    tpu.wait_dma2 semaphore(%arg24 : memref<!tpu.dma_semaphore, #tpu.memory_space<semaphore_mem>>) src(%arg12 : memref<16x1024xf32, #tpu.memory_space<vmem>>) dst(%dma_wait3A_566 : memref<16x1024xf32, #tpu.memory_space<hbm>>)
    %add3A_567 = arith.constant 192 : i32
    %add3A_568 = arith.addi %mul3A_2, %add3A_567 : i32
    %dma_wait3A_569 = arith.constant 0 : i32
    %dma_wait3A_570 = tpu.memref_slice %arg4[%add3A_568, %dma_wait3A_569] : memref<8192x1024xf32, #tpu.memory_space<hbm>> -> memref<16x1024xf32, #tpu.memory_space<hbm>>
    %dma_wait3A_571 = arith.constant 0 : i32
    %dma_wait3A_572 = tpu.memref_slice %arg4[%add3A_568, %dma_wait3A_571] : memref<8192x1024xf32, #tpu.memory_space<hbm>> -> memref<16x1024xf32, #tpu.memory_space<hbm>>
    tpu.wait_dma2 semaphore(%arg19 : memref<!tpu.dma_semaphore, #tpu.memory_space<semaphore_mem>>) src(%arg7 : memref<16x1024xf32, #tpu.memory_space<vmem>>) dst(%dma_wait3A_572 : memref<16x1024xf32, #tpu.memory_space<hbm>>)
    %add3A_573 = arith.constant 208 : i32
    %add3A_574 = arith.addi %mul3A_2, %add3A_573 : i32
    %dma_wait3A_575 = arith.constant 0 : i32
    %dma_wait3A_576 = tpu.memref_slice %arg4[%add3A_574, %dma_wait3A_575] : memref<8192x1024xf32, #tpu.memory_space<hbm>> -> memref<16x1024xf32, #tpu.memory_space<hbm>>
    %dma_wait3A_577 = arith.constant 0 : i32
    %dma_wait3A_578 = tpu.memref_slice %arg4[%add3A_574, %dma_wait3A_577] : memref<8192x1024xf32, #tpu.memory_space<hbm>> -> memref<16x1024xf32, #tpu.memory_space<hbm>>
    tpu.wait_dma2 semaphore(%arg20 : memref<!tpu.dma_semaphore, #tpu.memory_space<semaphore_mem>>) src(%arg8 : memref<16x1024xf32, #tpu.memory_space<vmem>>) dst(%dma_wait3A_578 : memref<16x1024xf32, #tpu.memory_space<hbm>>)
    %add3A_579 = arith.constant 224 : i32
    %add3A_580 = arith.addi %mul3A_2, %add3A_579 : i32
    %dma_wait3A_581 = arith.constant 0 : i32
    %dma_wait3A_582 = tpu.memref_slice %arg4[%add3A_580, %dma_wait3A_581] : memref<8192x1024xf32, #tpu.memory_space<hbm>> -> memref<16x1024xf32, #tpu.memory_space<hbm>>
    %dma_wait3A_583 = arith.constant 0 : i32
    %dma_wait3A_584 = tpu.memref_slice %arg4[%add3A_580, %dma_wait3A_583] : memref<8192x1024xf32, #tpu.memory_space<hbm>> -> memref<16x1024xf32, #tpu.memory_space<hbm>>
    tpu.wait_dma2 semaphore(%arg21 : memref<!tpu.dma_semaphore, #tpu.memory_space<semaphore_mem>>) src(%arg9 : memref<16x1024xf32, #tpu.memory_space<vmem>>) dst(%dma_wait3A_584 : memref<16x1024xf32, #tpu.memory_space<hbm>>)
    %add3A_585 = arith.constant 240 : i32
    %add3A_586 = arith.addi %mul3A_2, %add3A_585 : i32
    %dma_wait3A_587 = arith.constant 0 : i32
    %dma_wait3A_588 = tpu.memref_slice %arg4[%add3A_586, %dma_wait3A_587] : memref<8192x1024xf32, #tpu.memory_space<hbm>> -> memref<16x1024xf32, #tpu.memory_space<hbm>>
    %dma_wait3A_589 = arith.constant 0 : i32
    %dma_wait3A_590 = tpu.memref_slice %arg4[%add3A_586, %dma_wait3A_589] : memref<8192x1024xf32, #tpu.memory_space<hbm>> -> memref<16x1024xf32, #tpu.memory_space<hbm>>
    tpu.wait_dma2 semaphore(%arg22 : memref<!tpu.dma_semaphore, #tpu.memory_space<semaphore_mem>>) src(%arg10 : memref<16x1024xf32, #tpu.memory_space<vmem>>) dst(%dma_wait3A_590 : memref<16x1024xf32, #tpu.memory_space<hbm>>)
    return
  }
}

</mosaic_0001>

<sc_bundles>
// kernel: kernel.3.cloned.1.call-start
scs
__scs_entry_jumppad:
0x0: {  	(pc) =	sbr.rel $0x88, $3  }
0x1: {  	(tag) =	ssettag $0x0;
	lr =	simm.s32 $0x1  }
0x2: {  	[smem:$0x3F9F] =	sst lr;
	_ =	strace $0xD0000000  }
0x3: {  	_ = 	snop  }
0x4: {  	_ = 	snop  }
0x5: {  	_ = 	snop  }
0x6: {  	_ = 	snop  }
0x7: {  	_ = 	snop  }
__scs_overlays_trampoline_lowered:
0x8: {  	[smem:$0x3FAE] =	sst s0  }
0x9: {  	[smem:$0x3FAF] =	sst s1  }
0xa: {  	[smem:$0x3FB0] =	sst s2  }
0xb: {  	[smem:$0x3FB1] =	sst s3  }
0xc: {  	[smem:$0x3FB2] =	sst s4  }
0xd: {  	[smem:$0x3FB3] =	sst s5  }
0xe: {  	[smem:$0x3FB4] =	sst s6  }
0xf: {  	[smem:$0x3FB5] =	sst s7  }
0x10: {  	[smem:$0x3FB6] =	sst s8  }
0x11: {  	[smem:$0x3FB7] =	sst s9;
	s0 =	simm.s32 @!p0 $0x0  }
0x12: {  	s1 =	sld [smem:$0x3F9D];
	s0 =	simm.s32 @p0 $0x1  }
0x13: {  	[smem:$0x3FB8] =	sst s0;
	s0 =	simm.s32 @!p1 $0x0  }
0x14: {  	s2 =	sld [smem:$0x3F9C];
	s0 =	simm.s32 @p1 $0x1  }
0x15: {  	[smem:$0x3FB9] =	sst s0;
	s0 =	simm.s32 @!p2 $0x0  }
0x16: {  	s3 =	sld [smem:$0x3FDB];
	s0 =	simm.s32 @p2 $0x1  }
0x17: {  	s4 =	simm.s32 $0x1BF5;
	[smem:$0x3FBB] =	sst s0  }
0x18: {  	s0 =	sld [smem:$0x3F9E];
	_ =	swait.ge [sflag:s4], $0x0  }
0x19: {  	s7 =	sld [smem:$0x3F9F]  }
0x1a: {  	s8 =	sadd.s32 $0xFFFFE003, lr  }
0x1b: {  	s9 =	sadd.s32 $0xFFFFFEF7, lr;
	s5 =	simm.s32 $0xFFFFFFFF;
	p2 =	slt.u32 s8, $0xFFFFF086  }
0x1c: {  	p1 =	slt.u32 s9, $0xF7A;
	s5 =	simm.s32 @!p2 $0x0  }
0x1d: {  	s5 =	simm.s32 @p1 $0x1;
	p0 =	seq.s32 s7, s2  }
0x1e: {  	s7 =	smul.u32 @!p0 $0xF7A, s2;
	p2 =	seq.s32 @!p0 s5, $0x0  }
0x1f: {  	s9 =	smul.u32 $0xF7A, s1;
	s8 =	simm.s32 @!p0 $0x1BF5;
	p2 =	por !p2, p0  }
0x20: {  	[sflag:s8] =	ssyncset.s32 @!p0 $0xFFFFF086;
	s6 =	sadd.s32 @!p0 s3, s7;
	s7 =	simm.s32 @!p0 $0x108  }
0x21: {  	s3 =	sadd.s32 s3, s9;
	s6 =	sadd.s32 @!p0 $0x88, s6;
	s7 =	simm.s32 @p2 $0x1082  }
0x22: {  	[simem:s7], [sflag:s8] =	dma.local @!p0 [hbm:s6], $0xF7A  }
0x23: {  	s9 =	sor.u32 $0xD0000000, s2;
	s6 =	simm.s32 $0x108;
	_ =	swait.ge @!p0 [sflag:s8], $0x0  }
0x24: {  	s3 =	sadd.s32 $0x88, s3;
	s6 =	simm.s32 @!p1 $0x1082;
	[sflag:s4] =	ssyncset.s32 $0xFFFFF086  }
0x25: {  	[simem:s6], [sflag:s4] =	dma.local [hbm:s3], $0xF7A  }
0x26: {  	[smem:$0x3F9F] =	sst s1;
	(tag) =	ssettag s2;
	_ =	strace s9  }
0x27: {  	s1 =	sld [smem:$0x3FAF]  }
0x28: {  	s2 =	sld [smem:$0x3FB0]  }
0x29: {  	s4 =	sld [smem:$0x3FB2]  }
0x2a: {  	p0 =	seq.s32 s5, $0x0;
	s5 =	sld [smem:$0x3FB3]  }
0x2b: {  	s6 =	sld [smem:$0x3FB4]  }
0x2c: {  	s7 =	sld [smem:$0x3FB5]  }
0x2d: {  	s3 =	simm.s32 $0x108;
	s8 =	sld [smem:$0x3FB6]  }
0x2e: {  	s3 =	simm.s32 @!p0 $0x1082;
	s9 =	sld [smem:$0x3FB7]  }
0x2f: {  	lr =	sadd.s32 s0, s3;
	s0 =	sld [smem:$0x3FAE]  }
0x30: {  	s3 =	sld [smem:$0x3FB1]  }
0x31: {  	[smem:$0x3FBA] =	sst s10  }
0x32: {  	s10 =	sld [smem:$0x3FB8];
	_ =	sdelay $0x3  }
0x33: {  	p0 =	seq.s32 s10, $0x1;
	s10 =	sld [smem:$0x3FBA];
	_ =	sdelay $0x3  }
0x34: {  	[smem:$0x3FBA] =	sst s10  }
0x35: {  	s10 =	sld [smem:$0x3FB9];
	_ =	sdelay $0x3  }
0x36: {  	p1 =	seq.s32 s10, $0x1;
	s10 =	sld [smem:$0x3FBA];
	_ =	sdelay $0x3  }
0x37: {  	[smem:$0x3FBA] =	sst s10  }
0x38: {  	s10 =	sld [smem:$0x3FBB]  }
0x39: {  	_ = 	snop;
	(pc) =	sbr.ind lr, $3  }
0x3a: {  	_ = 	snop  }
0x3b: {  	_ = 	snop  }
0x3c: {  	p2 =	seq.s32 s10, $0x1;
	s10 =	sld [smem:$0x3FBA]  }
0x3d: {  	_ =	shalt  }
0x3e: {  	_ =	shalt  }
0x3f: {  	_ =	shalt  }
0x40: {  	_ =	shalt  }
0x41: {  	_ =	shalt  }
0x42: {  	_ =	shalt  }
0x43: {  	_ =	shalt  }
0x44: {  	_ =	shalt  }
0x45: {  	_ =	shalt  }
0x46: {  	_ =	shalt  }
0x47: {  	_ =	shalt  }
0x48: {  	_ =	shalt  }
0x49: {  	_ =	shalt  }
0x4a: {  	_ =	shalt  }
0x4b: {  	_ =	shalt  }
0x4c: {  	_ =	shalt  }
0x4d: {  	_ =	shalt  }
0x4e: {  	_ =	shalt  }
0x4f: {  	_ =	shalt  }
0x50: {  	_ =	shalt  }
0x51: {  	_ =	shalt  }
0x52: {  	_ =	shalt  }
0x53: {  	_ =	shalt  }
0x54: {  	_ =	shalt  }
0x55: {  	_ =	shalt  }
0x56: {  	_ =	shalt  }
0x57: {  	_ =	shalt  }
0x58: {  	_ =	shalt  }
0x59: {  	_ =	shalt  }
0x5a: {  	_ =	shalt  }
0x5b: {  	_ =	shalt  }
0x5c: {  	_ =	shalt  }
0x5d: {  	_ =	shalt  }
0x5e: {  	_ =	shalt  }
0x5f: {  	_ =	shalt  }
0x60: {  	_ =	shalt  }
0x61: {  	_ =	shalt  }
0x62: {  	_ =	shalt  }
0x63: {  	_ =	shalt  }
0x64: {  	_ =	shalt  }
0x65: {  	_ =	shalt  }
0x66: {  	_ =	shalt  }
0x67: {  	_ =	shalt  }
0x68: {  	_ =	shalt  }
0x69: {  	_ =	shalt  }
0x6a: {  	_ =	shalt  }
0x6b: {  	_ =	shalt  }
0x6c: {  	_ =	shalt  }
0x6d: {  	_ =	shalt  }
0x6e: {  	_ =	shalt  }
0x6f: {  	_ =	shalt  }
0x70: {  	_ =	shalt  }
0x71: {  	_ =	shalt  }
0x72: {  	_ =	shalt  }
0x73: {  	_ =	shalt  }
0x74: {  	_ =	shalt  }
0x75: {  	_ =	shalt  }
0x76: {  	_ =	shalt  }
0x77: {  	_ =	shalt  }
0x78: {  	_ =	shalt  }
0x79: {  	_ =	shalt  }
0x7a: {  	_ =	shalt  }
0x7b: {  	_ =	shalt  }
0x7c: {  	_ =	shalt  }
0x7d: {  	_ =	shalt  }
0x7e: {  	_ =	shalt  }
0x7f: {  	_ =	shalt  }
0x80: {  	_ =	shalt  }
0x81: {  	_ =	shalt  }
0x82: {  	_ =	shalt  }
0x83: {  	_ =	shalt  }
0x84: {  	_ =	shalt  }
0x85: {  	_ =	shalt  }
0x86: {  	_ =	shalt  }
0x87: {  	_ =	shalt  }
.Lfunc_end0:
.L_simem_size_0:
called_computation_lowered:
.L_overlay_start_0:
0x88: {  	s2 =	sld [smem:$0x3FD9]  }
0x89: {  	s3 =	sld [smem:$0x3FFE];
	_ =	sdelay $0x1  }
0x8a: {  	s1 =	srdreg.scid  }
0x8b: {  	s0 =	sand.u32 $0x1, s1  }
0x8c: {  	s17 =	sshll.u32 s0, $0xA;
	s2 =	sadd.s32 s3, s2  }
0x8d: {  	s2 =	sadd.s32 s2, s17  }
0x8e: {  	[smem:$0x3FC6] =	sst s2  }
0x8f: {  	_ = 	snop  }
0x90: {  	s2 =	sld [smem:$0x3FC8]  }
0x91: {  	s18 =	sld [smem:$0x3FD0];
	(tm) =	ssettm $0x1  }
0x92: {  	s4 =	sld [smem:$0x3FFB];
	_ =	sdelay $0x3  }
0x93: {  	_ =	strace s4  }
0x94: {  	s4 =	sld [smem:$0x3FFC];
	_ =	sdelay $0x3  }
0x95: {  	_ =	strace s4  }
0x96: {  	s4 =	sld [smem:$0x3FFD];
	_ =	sdelay $0x3  }
0x97: {  	_ =	strace s4  }
0x98: {  	_ =	strace $0x8FFFFFFF  }
0x99: {  	s19 =	sld [smem:$0x3FDB];
	_ =	sdelay $0x1  }
0x9a: {  	s5 =	simm.s32 $_scs_section_size  }
0x9b: {  	s6 =	simm.s32 $_size__tile_overlayer_lowered;
	s7 =	simm.s32 $_tile_overlayer_lowered  }
0x9c: {  	s22 =	simm.s32 $0x1BFF;
	s21 =	sshll.u32 s7, $0x1;
	s4 =	sadd.s32 s5, s19  }
0x9d: {  	s8 =	simm.s32 $0x0;
	s20 =	sshll.u32 s6, $0x1;
	s6 =	sadd.s32 s21, s4  }
0x9e: {  	[timem:s8], [sflag:s22] =	dma.local [hbm:s6], s20  }
0x9f: {  	_ =	swait.ge [sflag:s22], s20  }
0xa0: {  	s5 =	ssub.s32 $0x0, s20;
	[sflag:s22] =	ssyncset.done $0x0  }
0xa1: {  	[sflag:s22] =	ssyncadd.s32 s5;
	_ =	sdelay $0x1  }
0xa2: {  	s23 =	simm.s32 $0x1B8B  }
0xa3: {  	_ =	swait.ge [sflag:s23], $0x1  }
0xa4: {  	[sflag:s23] =	ssyncset.done $0x0  }
0xa5: {  	s25 =	simm.s32 $0x1B8E;
	s24 =	sld [smem:$0x3FFE];
	[sflag:s23] =	ssyncadd.s32 $0xFFFFFFFF  }
0xa6: {  	s26 =	simm.s32 $execute0_lowered;
	[smem:$0x3FD2] =	sst s25  }
0xa7: {  	s6 =	sshll.u32 s26, $0x1;
	_ =	strace $0x80000046;
	[dreg:$0x1] =	wrdreg $0xFFFFFFFF  }
0xa8: {  	s28 =	simm.s32 $_size_execute0_lowered;
	s4 =	sadd.s32 s4, s6;
	[dreg:$0x0] =	wrdreg $0x0  }
0xa9: {  	s6 =	sshll.u32 s28, $0x1;
	[dreg:$0x2] =	wrdreg s4  }
0xaa: {  	[dreg:$0x3] =	wrdreg s6  }
0xab: {  	[dreg:$0x4] =	wrdreg $0xC0  }
0xac: {  	_ =	task [dreg:s8], $0x5FFFF  }
0xad: {  	[dreg:$0x1] =	wrdreg $0xFFFFFFFF  }
0xae: {  	[dreg:$0x0] =	wrdreg $0x60  }
0xaf: {  	[dreg:$0x2] =	wrdreg s2  }
0xb0: {  	[dreg:$0x3] =	wrdreg s24  }
0xb1: {  	[dreg:$0x4] =	wrdreg s18  }
0xb2: {  	[dreg:$0x5] =	wrdreg $0x9  }
0xb3: {  	_ =	task.clear_ibuf [dreg:s8], $0x6FFFF;
	_ =	strace $0x90000046  }
0xb4: {  	s29 =	simm.s32 $0x9;
	_ =	strace $0x80000048  }
0xb5: {  	_ =	swait.ge [sflag:s29], $0x1  }
0xb6: {  	[sflag:s29] =	ssyncadd.s32 $0xFFFFFFFF  }
0xb7: {  	_ =	strace $0x90000048  }
0xb8: {  	_ =	sfence  }
0xb9: {  	s30 =	sld [smem:$0x0];
	_ =	sdelay $0x2  }
0xba: {  	s31 =	sshll.u32 s1, $0xD;
	s1 =	sshrl.u32 s1, $0x2  }
0xbb: {  	s3 =	sand.u32 $0x4000, s31;
	s1 =	sadd.s32 s1, s30  }
0xbc: {  	s0 =	sor.u32 s3, s0;
	s1 =	sshll.u32 s1, $0x11  }
0xbd: {  	s0 =	sor.u32 s1, s0  }
0xbe: {  	s0 =	sadd.s32 $0x8F2B, s0  }
0xbf: {  	[sflag:s0] =	ssyncadd.remote.s32 $0x1  }
0xc0: {  	_ =	sfence.sel $0xFFFF  }
0xc1: {  	[dreg:$0x0] =	wrdreg $0xFFFFFFFF;
	(pc) =	sbr.abs _section_cstart, $3  }
0xc2: {  	[dreg:$0x1] =	wrdreg $0xFFFFFFFF  }
0xc3: {  	_ =	task.clear_ibuf [dreg:s8], $0x2FFFF;
	_ =	strace $0x9FFFFFFF  }
0xc4: {  	(tm) =	ssettm $0x7FFFFFFF  }
0xc5: {  	_ =	shalt  }
tec
execute0_lowered:
.L_overlay_start_1:
0x0: {  	(tag) =	ssettag $0x1  }
0x1: {  	s1 =	rddreg [dreg:$0x0]  }
0x2: {  	s0 =	rddreg [dreg:$0x1]  }
0x3: {  	s6 =	rddreg [dreg:$0x2]  }
0x4: {  	s3 =	simm.s32 $0x0;
	s2 =	srdreg.scid;
	s5 =	stileid.u32  }
0x5: {  	s31 =	simm.s32 $0x9;
	[smem:$0x7FF] =	sst s3;
	s2 =	sand.u32 $0x1, s2  }
0x6: {  	s5 =	sshll.u32 s5, $0x9;
	s0 =	sadd.s32 $0x400, s0;
	s4 =	ssub.s32 $0x2, s2  }
0x7: {  	_ =	strace $0x80000047;
	s2 =	sshll.u32 s2, $0x8;
	s7 =	sshrl.u32 s4, $0x1  }
0x8: {  	[dreg:$0x4] =	wrdreg s0;
	s19 =	sor.u32 s2, s5;
	s7 =	ssub.s32 s4, s7  }
0x9: {  	s20 =	sor.u32 $0x10, s19;
	s0 =	sor.u32 $0x20, s19;
	s11 =	sor.u32 $0x30, s19  }
0xa: {  	s21 =	sor.u32 $0x40, s19;
	s10 =	sor.u32 $0x50, s19;
	s28 =	sor.u32 $0x60, s19  }
0xb: {  	s2 =	sor.u32 $0x70, s19;
	s30 =	sor.u32 $0x80, s19;
	s23 =	sor.u32 $0x90, s19  }
0xc: {  	s22 =	sor.u32 $0xA0, s19;
	s26 =	sor.u32 $0xB0, s19;
	s13 =	sor.u32 $0xC0, s19  }
0xd: {  	v18 =	vlaneseq.u32;
	s14 =	sor.u32 $0xD0, s19;
	s24 =	sor.u32 $0xE0, s19;
	s12 =	sor.u32 $0xF0, s19  }
0xe: {  	s5 =	sshll.u32 s19, $0x7;
	s4 =	sadd.s32 $0x100, s1;
	v0 =	vor.u32 s19, v18;
	s19 =	simm.s32 $0xC180  }
0xf: {  	s5 =	sadd.s32 s6, s5;
	s8 =	sshll.u32 s20, $0x7;
	s18 =	sshll.u32 s0, $0x7  }
0x10: {  	s29 =	sshll.u32 s11, $0x7;
	s9 =	sshll.u32 s21, $0x7;
	s16 =	sshll.u32 s10, $0x7  }
0x11: {  	s7 =	smax.u32 s7, $0x1;
	v4 =	vor.u32 s21, v18;
	s21 =	simm.s32 $0x1;
	[dreg:$0x5] =	wrdreg s5  }
0x12: {  	s17 =	sadd.s32 s6, s8;
	s25 =	sadd.s32 s6, s18;
	s8 =	sadd.s32 s6, s29  }
0x13: {  	s15 =	sadd.s32 s6, s9;
	s18 =	sshll.u32 s28, $0x7;
	[dreg:$0x6] =	wrdreg s17  }
0x14: {  	s29 =	sshll.u32 s2, $0x7;
	s9 =	sshll.u32 s30, $0x7;
	[dreg:$0x7] =	wrdreg s25  }
0x15: {  	v8 =	vor.u32 s30, v18;
	s5 =	sadd.s32 $0x200, s1;
	s30 =	simm.s32 $0xA;
	[dreg:$0x8] =	wrdreg s8  }
0x16: {  	v6 =	vor.u32 s28, v18;
	s28 =	simm.s32 $0x7;
	[dreg:$0x9] =	wrdreg s15;
	s17 =	sadd.s32 s6, s16  }
0x17: {  	s25 =	sadd.s32 s6, s18;
	s8 =	sadd.s32 s6, s29;
	s15 =	sadd.s32 s6, s9  }
0x18: {  	s16 =	sshll.u32 s23, $0x7;
	s18 =	sshll.u32 s22, $0x7;
	[dreg:$0xa] =	wrdreg s17  }
0x19: {  	s29 =	sshll.u32 s26, $0x7;
	s9 =	sshll.u32 s13, $0x7;
	[dreg:$0xb] =	wrdreg s25  }
0x1a: {  	v11 =	vor.u32 s26, v18;
	v12 =	vor.u32 s13, v18;
	s13 =	simm.s32 $0x12980;
	s26 =	simm.s32 $0x2;
	[dreg:$0xc] =	wrdreg s8  }
0x1b: {  	[dreg:$0xd] =	wrdreg s15;
	s17 =	sadd.s32 s6, s16;
	s25 =	sadd.s32 s6, s18  }
0x1c: {  	s8 =	sadd.s32 s6, s29;
	s15 =	sadd.s32 s6, s9;
	[dreg:$0xe] =	wrdreg s17  }
0x1d: {  	s16 =	sshll.u32 s14, $0x7;
	s18 =	sshll.u32 s24, $0x7;
	[dreg:$0xf] =	wrdreg s25  }
0x1e: {  	s9 =	sshll.u32 s12, $0x7;
	s29 =	simm.s32 $0x100;
	[dreg:$0x10] =	wrdreg s8  }
0x1f: {  	v17 =	vshrl.u32 v18, $0x3;
	v13 =	vor.u32 s14, v18;
	v15 =	vor.u32 s12, v18;
	s12 =	simm.s32 $0x12180;
	s14 =	simm.s32 $0x13180;
	[dreg:$0x11] =	wrdreg s15  }
0x20: {  	vm0 =	vmmov $0xffff;
	v16 =	vand.u32 $0x7, v18;
	v17 =	vmul.u32 $0x8, v17;
	s17 =	sadd.s32 s6, s16;
	s8 =	sadd.s32 s6, s18;
	[dreg:$0x15] =	wrdreg s29  }
0x21: {  	v1 =	vor.u32 s20, v18;
	v2 =	vor.u32 s0, v18;
	v3 =	vor.u32 s11, v18;
	s25 =	sadd.s32 s6, s9;
	s6 =	sadd.s32 $0x300, s1;
	[dreg:$0x12] =	wrdreg s17  }
0x22: {  	v5 =	vor.u32 s10, v18;
	v7 =	vor.u32 s2, v18;
	v9 =	vor.u32 s23, v18;
	s15 =	simm.s32 $0x13980;
	s16 =	simm.s32 $0x14180;
	[dreg:$0x13] =	wrdreg s8  }
0x23: {  	v10 =	vor.u32 s22, v18;
	v14 =	vor.u32 s24, v18;
	v18 =	vor.u32 $0x8, v18;
	[dreg:$0x14] =	wrdreg s25;
	s17 =	simm.s32 $0x180;
	s25 =	simm.s32 $0x4180  }
.LBB2_1:
0x24: {  	s10 =	rddreg [dreg:$0x4]  }
0x25: {  	s11 =	rddreg [dreg:$0x15];
	s18 =	simm.s32 $0xD  }
0x26: {  	[tilespmem:s11], [sflag:$0xD] =	stream.linear.gather [hbm4b:s10+s3], $0x80, $0x38;
	[tilespmem:$0x18180] =	vst v63  }
0x27: {  	_ =	swait.ge [sflag:s18], $0x80  }
0x28: {  	[sflag:s18] =	ssyncset.done $0x0  }
0x29: {  	[sflag:s18] =	ssyncadd.s32 $0xFFFFFF80  }
0x2a: {  	v19 =	vld [tilespmem:$0x100];
	_ =	sdelay $0x4  }
0x2b: {  	v20 =	vadd.s32 v19, v0  }
0x2c: {  	v21 =	vadd.s32 v19, v1;
	v22 =	vadd.s32 v19, v2;
	v23 =	vadd.s32 v19, v3  }
0x2d: {  	v24 =	vadd.s32 v19, v4;
	v25 =	vadd.s32 v19, v5;
	v26 =	vadd.s32 v19, v6  }
0x2e: {  	v27 =	vadd.s32 v19, v7;
	v28 =	vadd.s32 v19, v8;
	v48 =	vadd.s32 v19, v9  }
0x2f: {  	v50 =	vadd.s32 v19, v10;
	v52 =	vadd.s32 v19, v11;
	v57 =	vadd.s32 v19, v12  }
0x30: {  	v58 =	vadd.s32 v19, v13;
	v60 =	vadd.s32 v19, v14;
	vm2 =	vgt.s32 v21, $0x0  }
0x31: {  	v19 =	vadd.s32 v19, v15;
	vm1 =	vgt.s32 v20, $0x0;
	v21 =	vnsel vm2, $0x0, v21  }
0x32: {  	v20 =	vnsel vm1, $0x0, v20;
	vm1 =	vgt.s32 v22, $0x0;
	v21 =	vmin.u32 v21, $0x1FFF  }
0x33: {  	v22 =	vnsel vm1, $0x0, v22;
	vm1 =	vgt.s32 v23, $0x0;
	v20 =	vmin.u32 v20, $0x1FFF  }
0x34: {  	v22 =	vmin.u32 v22, $0x1FFF;
	v23 =	vnsel vm1, $0x0, v23;
	vm1 =	vgt.s32 v24, $0x0  }
0x35: {  	[tilespmem:$0x10] =	vst v21;
	v56 =	vshll.u32 v20, $0x3;
	v24 =	vnsel vm1, $0x0, v24;
	vm1 =	vgt.s32 v25, $0x0  }
0x36: {  	[tilespmem:$0x0] =	vst v20;
	v20 =	vand.u32 $0x7, v20;
	v25 =	vnsel vm1, $0x0, v25;
	vm1 =	vgt.s32 v26, $0x0  }
0x37: {  	v23 =	vmin.u32 v23, $0x1FFF;
	[tilespmem:$0x20] =	vst v22;
	v26 =	vnsel vm1, $0x0, v26;
	vm1 =	vgt.s32 v27, $0x0  }
0x38: {  	v24 =	vmin.u32 v24, $0x1FFF;
	[tilespmem:$0x30] =	vst v23;
	v47 =	vnsel vm1, $0x0, v27;
	vm1 =	vgt.s32 v28, $0x0  }
0x39: {  	[tilespmem:$0x40] =	vst v24;
	v53 =	vmin.u32 v25, $0x1FFF;
	v26 =	vmin.u32 v26, $0x1FFF;
	v49 =	vnsel vm1, $0x0, v28  }
0x3a: {  	vm1 =	vgt.s32 v48, $0x0;
	v21 =	vmin.u32 v47, $0x1FFF;
	[tilespmem:$0x60] =	vst v26;
	v26 =	vand.u32 $0xFFC0, v56  }
0x3b: {  	[tilespmem:$0x50] =	vst v53;
	v51 =	vnsel vm1, $0x0, v48;
	vm1 =	vgt.s32 v50, $0x0;
	v22 =	vmin.u32 v49, $0x1FFF  }
0x3c: {  	[tilespmem:$0x70] =	vst v21;
	v20 =	vor.u32 v20, v26;
	v54 =	vnsel vm1, $0x0, v50;
	vm1 =	vgt.s32 v52, $0x0  }
0x3d: {  	v23 =	vmin.u32 v51, $0x1FFF;
	[tilespmem:$0x80] =	vst v22;
	v59 =	vperm.xlane v20, v16;
	v55 =	vnsel vm1, $0x0, v52  }
0x3e: {  	v25 =	vmin.u32 v54, $0x1FFF;
	vm1 =	vgt.s32 v57, $0x0;
	[tilespmem:$0x90] =	vst v23;
	v24 =	vmin.u32 v55, $0x1FFF  }
0x3f: {  	v21 =	vnsel vm1, $0x0, v57;
	vm1 =	vgt.s32 v58, $0x0;
	[tilespmem:$0xA0] =	vst v25;
	v23 =	vadd.s32 v17, v59  }
0x40: {  	v21 =	vmin.u32 v21, $0x1FFF;
	v22 =	vnsel vm1, $0x0, v58;
	[tilespmem:$0xB0] =	vst v24;
	vm1 =	vgt.s32 v60, $0x0  }
0x41: {  	[tilespmem:$0xC0] =	vst v21;
	v61 =	vmin.u32 v22, $0x1FFF;
	v62 =	vnsel vm1, $0x0, v60;
	vm1 =	vgt.s32 v19, $0x0  }
0x42: {  	[tilespmem:$0xD0] =	vst v61;
	v19 =	vnsel vm1, $0x0, v19;
	v63 =	vmin.u32 v62, $0x1FFF  }
0x43: {  	[tilespmem:$0xE0] =	vst v63;
	v19 =	vmin.u32 v19, $0x1FFF  }
0x44: {  	[tilespmem:$0xF0] =	vst v19  }
0x45: {  	[tilespmem:s17], [sflag:$0x1] =	stream.indirect_vreg.gather [hbm4b:s1+s3], $0x80, v23, vm0, $0xb8;
	[tilespmem:$0x18180] =	vst v63  }
0x46: {  	s0 =	simm.s32 $0x980;
	v19 =	vperm.xlane v20, v18  }
0x47: {  	[tilespmem:s0], [sflag:$0x1] =	stream.indirect_vreg.gather [hbm4b:s4+s3], $0x80, v23, vm0, $0xb8;
	[tilespmem:$0x18180] =	vst v63  }
0x48: {  	s20 =	simm.s32 $0x1180;
	v19 =	vadd.s32 v17, v19  }
0x49: {  	[tilespmem:s20], [sflag:$0x1] =	stream.indirect_vreg.gather [hbm4b:s5+s3], $0x80, v23, vm0, $0xb8;
	[tilespmem:$0x18180] =	vst v63  }
0x4a: {  	s22 =	simm.s32 $0x1980  }
0x4b: {  	[tilespmem:s22], [sflag:$0x1] =	stream.indirect_vreg.gather [hbm4b:s6+s3], $0x80, v23, vm0, $0xb8;
	[tilespmem:$0x18180] =	vst v63  }
0x4c: {  	s23 =	simm.s32 $0x2180  }
0x4d: {  	[tilespmem:s23], [sflag:$0x1] =	stream.indirect_vreg.gather [hbm4b:s1+s3], $0x80, v19, vm0, $0xb8;
	[tilespmem:$0x18180] =	vst v63  }
0x4e: {  	s24 =	simm.s32 $0x2980  }
0x4f: {  	[tilespmem:s24], [sflag:$0x1] =	stream.indirect_vreg.gather [hbm4b:s4+s3], $0x80, v19, vm0, $0xb8;
	[tilespmem:$0x18180] =	vst v63  }
0x50: {  	s2 =	simm.s32 $0x3180  }
0x51: {  	[tilespmem:s2], [sflag:$0x1] =	stream.indirect_vreg.gather [hbm4b:s5+s3], $0x80, v19, vm0, $0xb8;
	[tilespmem:$0x18180] =	vst v63  }
0x52: {  	s8 =	simm.s32 $0x3980  }
0x53: {  	[tilespmem:s8], [sflag:$0x1] =	stream.indirect_vreg.gather [hbm4b:s6+s3], $0x80, v19, vm0, $0xb8;
	[tilespmem:$0x18180] =	vst v63  }
0x54: {  	v19 =	vld [tilespmem:$0x10];
	_ =	sdelay $0x4  }
0x55: {  	v20 =	vshll.u32 v19, $0x3  }
0x56: {  	v19 =	vand.u32 $0x7, v19;
	v20 =	vand.u32 $0xFFFFFFC0, v20  }
0x57: {  	v19 =	vor.u32 v19, v20  }
0x58: {  	v20 =	vperm.xlane v19, v16;
	_ =	sdelay $0x1  }
0x59: {  	v20 =	vadd.s32 v17, v20;
	_ =	sdelay $0x4  }
0x5a: {  	[tilespmem:s25], [sflag:$0x2] =	stream.indirect_vreg.gather [hbm4b:s1+s3], $0x80, v20, vm0, $0xb8;
	[tilespmem:$0x18180] =	vst v63  }
0x5b: {  	s9 =	simm.s32 $0x4980;
	v19 =	vperm.xlane v19, v18  }
0x5c: {  	[tilespmem:s9], [sflag:$0x2] =	stream.indirect_vreg.gather [hbm4b:s4+s3], $0x80, v20, vm0, $0xb8;
	[tilespmem:$0x18180] =	vst v63  }
0x5d: {  	s10 =	simm.s32 $0x5180;
	v19 =	vadd.s32 v17, v19  }
0x5e: {  	[tilespmem:s10], [sflag:$0x2] =	stream.indirect_vreg.gather [hbm4b:s5+s3], $0x80, v20, vm0, $0xb8;
	[tilespmem:$0x18180] =	vst v63  }
0x5f: {  	s11 =	simm.s32 $0x5980  }
0x60: {  	[tilespmem:s11], [sflag:$0x2] =	stream.indirect_vreg.gather [hbm4b:s6+s3], $0x80, v20, vm0, $0xb8;
	[tilespmem:$0x18180] =	vst v63  }
0x61: {  	s2 =	simm.s32 $0x6180  }
0x62: {  	[tilespmem:s2], [sflag:$0x2] =	stream.indirect_vreg.gather [hbm4b:s1+s3], $0x80, v19, vm0, $0xb8;
	[tilespmem:$0x18180] =	vst v63  }
0x63: {  	s8 =	simm.s32 $0x6980  }
0x64: {  	[tilespmem:s8], [sflag:$0x2] =	stream.indirect_vreg.gather [hbm4b:s4+s3], $0x80, v19, vm0, $0xb8;
	[tilespmem:$0x18180] =	vst v63  }
0x65: {  	s9 =	simm.s32 $0x7180  }
0x66: {  	[tilespmem:s9], [sflag:$0x2] =	stream.indirect_vreg.gather [hbm4b:s5+s3], $0x80, v19, vm0, $0xb8;
	[tilespmem:$0x18180] =	vst v63  }
0x67: {  	s10 =	simm.s32 $0x7980  }
0x68: {  	[tilespmem:s10], [sflag:$0x2] =	stream.indirect_vreg.gather [hbm4b:s6+s3], $0x80, v19, vm0, $0xb8;
	[tilespmem:$0x18180] =	vst v63  }
0x69: {  	v19 =	vld [tilespmem:$0x20];
	_ =	sdelay $0x4  }
0x6a: {  	v20 =	vshll.u32 v19, $0x3  }
0x6b: {  	v19 =	vand.u32 $0x7, v19;
	v20 =	vand.u32 $0xFFFFFFC0, v20  }
0x6c: {  	v19 =	vor.u32 v19, v20  }
0x6d: {  	v20 =	vperm.xlane v19, v16;
	_ =	sdelay $0x1  }
0x6e: {  	v20 =	vadd.s32 v17, v20;
	_ =	sdelay $0x3  }
0x6f: {  	s0 =	simm.s32 $0x8180  }
0x70: {  	[tilespmem:s0], [sflag:$0x3] =	stream.indirect_vreg.gather [hbm4b:s1+s3], $0x80, v20, vm0, $0xb8;
	[tilespmem:$0x18180] =	vst v63  }
0x71: {  	s2 =	simm.s32 $0x8980;
	v19 =	vperm.xlane v19, v18  }
0x72: {  	[tilespmem:s2], [sflag:$0x3] =	stream.indirect_vreg.gather [hbm4b:s4+s3], $0x80, v20, vm0, $0xb8;
	[tilespmem:$0x18180] =	vst v63  }
0x73: {  	s11 =	simm.s32 $0x9180;
	v19 =	vadd.s32 v17, v19  }
0x74: {  	[tilespmem:s11], [sflag:$0x3] =	stream.indirect_vreg.gather [hbm4b:s5+s3], $0x80, v20, vm0, $0xb8;
	[tilespmem:$0x18180] =	vst v63  }
0x75: {  	s8 =	simm.s32 $0x9980  }
0x76: {  	[tilespmem:s8], [sflag:$0x3] =	stream.indirect_vreg.gather [hbm4b:s6+s3], $0x80, v20, vm0, $0xb8;
	[tilespmem:$0x18180] =	vst v63  }
0x77: {  	s9 =	simm.s32 $0xA180  }
0x78: {  	[tilespmem:s9], [sflag:$0x3] =	stream.indirect_vreg.gather [hbm4b:s1+s3], $0x80, v19, vm0, $0xb8;
	[tilespmem:$0x18180] =	vst v63  }
0x79: {  	s10 =	simm.s32 $0xA980  }
0x7a: {  	[tilespmem:s10], [sflag:$0x3] =	stream.indirect_vreg.gather [hbm4b:s4+s3], $0x80, v19, vm0, $0xb8;
	[tilespmem:$0x18180] =	vst v63  }
0x7b: {  	s11 =	simm.s32 $0xB180  }
0x7c: {  	[tilespmem:s11], [sflag:$0x3] =	stream.indirect_vreg.gather [hbm4b:s5+s3], $0x80, v19, vm0, $0xb8;
	[tilespmem:$0x18180] =	vst v63  }
0x7d: {  	s8 =	simm.s32 $0xB980  }
0x7e: {  	[tilespmem:s8], [sflag:$0x3] =	stream.indirect_vreg.gather [hbm4b:s6+s3], $0x80, v19, vm0, $0xb8;
	[tilespmem:$0x18180] =	vst v63  }
0x7f: {  	v19 =	vld [tilespmem:$0x30];
	_ =	sdelay $0x4  }
0x80: {  	v20 =	vshll.u32 v19, $0x3  }
0x81: {  	v19 =	vand.u32 $0x7, v19;
	v20 =	vand.u32 $0xFFFFFFC0, v20  }
0x82: {  	v19 =	vor.u32 v19, v20  }
0x83: {  	v20 =	vperm.xlane v19, v16;
	_ =	sdelay $0x1  }
0x84: {  	v20 =	vadd.s32 v17, v20;
	_ =	sdelay $0x4  }
0x85: {  	[tilespmem:s19], [sflag:$0x4] =	stream.indirect_vreg.gather [hbm4b:s1+s3], $0x80, v20, vm0, $0xb8;
	[tilespmem:$0x18180] =	vst v63  }
0x86: {  	s9 =	simm.s32 $0xC980;
	v19 =	vperm.xlane v19, v18  }
0x87: {  	[tilespmem:s9], [sflag:$0x4] =	stream.indirect_vreg.gather [hbm4b:s4+s3], $0x80, v20, vm0, $0xb8;
	[tilespmem:$0x18180] =	vst v63  }
0x88: {  	s10 =	simm.s32 $0xD180;
	v19 =	vadd.s32 v17, v19  }
0x89: {  	[tilespmem:s10], [sflag:$0x4] =	stream.indirect_vreg.gather [hbm4b:s5+s3], $0x80, v20, vm0, $0xb8;
	[tilespmem:$0x18180] =	vst v63  }
0x8a: {  	s11 =	simm.s32 $0xD980  }
0x8b: {  	[tilespmem:s11], [sflag:$0x4] =	stream.indirect_vreg.gather [hbm4b:s6+s3], $0x80, v20, vm0, $0xb8;
	[tilespmem:$0x18180] =	vst v63  }
0x8c: {  	s8 =	simm.s32 $0xE180  }
0x8d: {  	[tilespmem:s8], [sflag:$0x4] =	stream.indirect_vreg.gather [hbm4b:s1+s3], $0x80, v19, vm0, $0xb8;
	[tilespmem:$0x18180] =	vst v63  }
0x8e: {  	s9 =	simm.s32 $0xE980  }
0x8f: {  	[tilespmem:s9], [sflag:$0x4] =	stream.indirect_vreg.gather [hbm4b:s4+s3], $0x80, v19, vm0, $0xb8;
	[tilespmem:$0x18180] =	vst v63  }
0x90: {  	s10 =	simm.s32 $0xF180  }
0x91: {  	[tilespmem:s10], [sflag:$0x4] =	stream.indirect_vreg.gather [hbm4b:s5+s3], $0x80, v19, vm0, $0xb8;
	[tilespmem:$0x18180] =	vst v63  }
0x92: {  	s11 =	simm.s32 $0xF980  }
0x93: {  	[tilespmem:s11], [sflag:$0x4] =	stream.indirect_vreg.gather [hbm4b:s6+s3], $0x80, v19, vm0, $0xb8;
	[tilespmem:$0x18180] =	vst v63  }
0x94: {  	v19 =	vld [tilespmem:$0x40];
	_ =	sdelay $0x4  }
0x95: {  	v20 =	vshll.u32 v19, $0x3  }
0x96: {  	v19 =	vand.u32 $0x7, v19;
	v20 =	vand.u32 $0xFFFFFFC0, v20  }
0x97: {  	v19 =	vor.u32 v19, v20  }
0x98: {  	v20 =	vperm.xlane v19, v16;
	_ =	sdelay $0x1  }
0x99: {  	v20 =	vadd.s32 v17, v20;
	_ =	sdelay $0x3  }
0x9a: {  	s2 =	simm.s32 $0x10180  }
0x9b: {  	[tilespmem:s2], [sflag:$0x5] =	stream.indirect_vreg.gather [hbm4b:s1+s3], $0x80, v20, vm0, $0xb8;
	[tilespmem:$0x18180] =	vst v63  }
0x9c: {  	s8 =	simm.s32 $0x10980;
	v19 =	vperm.xlane v19, v18  }
0x9d: {  	[tilespmem:s8], [sflag:$0x5] =	stream.indirect_vreg.gather [hbm4b:s4+s3], $0x80, v20, vm0, $0xb8;
	[tilespmem:$0x18180] =	vst v63  }
0x9e: {  	s9 =	simm.s32 $0x11180;
	v19 =	vadd.s32 v17, v19  }
0x9f: {  	[tilespmem:s9], [sflag:$0x5] =	stream.indirect_vreg.gather [hbm4b:s5+s3], $0x80, v20, vm0, $0xb8;
	[tilespmem:$0x18180] =	vst v63  }
0xa0: {  	s11 =	simm.s32 $0x11980  }
0xa1: {  	[tilespmem:s11], [sflag:$0x5] =	stream.indirect_vreg.gather [hbm4b:s6+s3], $0x80, v20, vm0, $0xb8;
	[tilespmem:$0x18180] =	vst v63  }
0xa2: {  	_ = 	snop  }
0xa3: {  	[tilespmem:s12], [sflag:$0x5] =	stream.indirect_vreg.gather [hbm4b:s1+s3], $0x80, v19, vm0, $0xb8;
	[tilespmem:$0x18180] =	vst v63  }
0xa4: {  	_ = 	snop  }
0xa5: {  	[tilespmem:s13], [sflag:$0x5] =	stream.indirect_vreg.gather [hbm4b:s4+s3], $0x80, v19, vm0, $0xb8;
	[tilespmem:$0x18180] =	vst v63  }
0xa6: {  	_ = 	snop  }
0xa7: {  	[tilespmem:s14], [sflag:$0x5] =	stream.indirect_vreg.gather [hbm4b:s5+s3], $0x80, v19, vm0, $0xb8;
	[tilespmem:$0x18180] =	vst v63  }
0xa8: {  	_ = 	snop  }
0xa9: {  	[tilespmem:s15], [sflag:$0x5] =	stream.indirect_vreg.gather [hbm4b:s6+s3], $0x80, v19, vm0, $0xb8;
	[tilespmem:$0x18180] =	vst v63  }
0xaa: {  	_ =	swait.ge [sflag:s21], $0x4000  }
0xab: {  	[sflag:s21] =	ssyncset.done $0x0  }
0xac: {  	s10 =	rddreg [dreg:$0x5];
	[sflag:s21] =	ssyncadd.s32 $0xFFFFC000  }
0xad: {  	[hbm4b:s10+s3] =	stream.linear.scatter [tilespmem:s17], [sflag:$0x7], $0x4000, $0x38;
	[tilespmem:$0x18180] =	vst v63  }
0xae: {  	v19 =	vld [tilespmem:$0x50];
	_ =	sdelay $0x4  }
0xaf: {  	v20 =	vshll.u32 v19, $0x3  }
0xb0: {  	v19 =	vand.u32 $0x7, v19;
	v20 =	vand.u32 $0xFFFFFFC0, v20  }
0xb1: {  	v19 =	vor.u32 v19, v20  }
0xb2: {  	v20 =	vperm.xlane v19, v16;
	_ =	sdelay $0x1  }
0xb3: {  	v20 =	vadd.s32 v17, v20;
	_ =	sdelay $0x4  }
0xb4: {  	[tilespmem:s16], [sflag:$0x6] =	stream.indirect_vreg.gather [hbm4b:s1+s3], $0x80, v20, vm0, $0xb8;
	[tilespmem:$0x18180] =	vst v63  }
0xb5: {  	s10 =	simm.s32 $0x14980;
	v19 =	vperm.xlane v19, v18  }
0xb6: {  	[tilespmem:s10], [sflag:$0x6] =	stream.indirect_vreg.gather [hbm4b:s4+s3], $0x80, v20, vm0, $0xb8;
	[tilespmem:$0x18180] =	vst v63  }
0xb7: {  	v19 =	vadd.s32 v17, v19;
	s10 =	simm.s32 $0x15180  }
0xb8: {  	[tilespmem:s10], [sflag:$0x6] =	stream.indirect_vreg.gather [hbm4b:s5+s3], $0x80, v20, vm0, $0xb8;
	[tilespmem:$0x18180] =	vst v63  }
0xb9: {  	s10 =	simm.s32 $0x15980  }
0xba: {  	[tilespmem:s10], [sflag:$0x6] =	stream.indirect_vreg.gather [hbm4b:s6+s3], $0x80, v20, vm0, $0xb8;
	[tilespmem:$0x18180] =	vst v63  }
0xbb: {  	s10 =	simm.s32 $0x16180  }
0xbc: {  	[tilespmem:s10], [sflag:$0x6] =	stream.indirect_vreg.gather [hbm4b:s1+s3], $0x80, v19, vm0, $0xb8;
	[tilespmem:$0x18180] =	vst v63  }
0xbd: {  	s10 =	simm.s32 $0x16980  }
0xbe: {  	[tilespmem:s10], [sflag:$0x6] =	stream.indirect_vreg.gather [hbm4b:s4+s3], $0x80, v19, vm0, $0xb8;
	[tilespmem:$0x18180] =	vst v63  }
0xbf: {  	s10 =	simm.s32 $0x17180  }
0xc0: {  	[tilespmem:s10], [sflag:$0x6] =	stream.indirect_vreg.gather [hbm4b:s5+s3], $0x80, v19, vm0, $0xb8;
	[tilespmem:$0x18180] =	vst v63  }
0xc1: {  	s10 =	simm.s32 $0x17980  }
0xc2: {  	[tilespmem:s10], [sflag:$0x6] =	stream.indirect_vreg.gather [hbm4b:s6+s3], $0x80, v19, vm0, $0xb8;
	[tilespmem:$0x18180] =	vst v63  }
0xc3: {  	_ =	swait.ge [sflag:s26], $0x4000  }
0xc4: {  	[sflag:s26] =	ssyncset.done $0x0  }
0xc5: {  	s10 =	rddreg [dreg:$0x6];
	[sflag:s26] =	ssyncadd.s32 $0xFFFFC000  }
0xc6: {  	[hbm4b:s10+s3] =	stream.linear.scatter [tilespmem:s25], [sflag:$0x8], $0x4000, $0x38;
	[tilespmem:$0x18180] =	vst v63  }
0xc7: {  	_ =	swait.ge [sflag:s28], $0x4000  }
0xc8: {  	[sflag:s28] =	ssyncset.done $0x0  }
0xc9: {  	[sflag:s28] =	ssyncadd.s32 $0xFFFFC000  }
0xca: {  	v19 =	vld [tilespmem:$0x60];
	_ =	sdelay $0x4  }
0xcb: {  	v20 =	vshll.u32 v19, $0x3  }
0xcc: {  	v19 =	vand.u32 $0x7, v19;
	v20 =	vand.u32 $0xFFFFFFC0, v20  }
0xcd: {  	v19 =	vor.u32 v19, v20  }
0xce: {  	v20 =	vperm.xlane v19, v16;
	_ =	sdelay $0x1  }
0xcf: {  	v20 =	vadd.s32 v17, v20;
	_ =	sdelay $0x4  }
0xd0: {  	[tilespmem:s17], [sflag:$0x1] =	stream.indirect_vreg.gather [hbm4b:s1+s3], $0x80, v20, vm0, $0xb8;
	[tilespmem:$0x18180] =	vst v63  }
0xd1: {  	s18 =	simm.s32 $0x980;
	v19 =	vperm.xlane v19, v18  }
0xd2: {  	[tilespmem:s18], [sflag:$0x1] =	stream.indirect_vreg.gather [hbm4b:s4+s3], $0x80, v20, vm0, $0xb8;
	[tilespmem:$0x18180] =	vst v63  }
0xd3: {  	s29 =	simm.s32 $0x1180;
	v19 =	vadd.s32 v17, v19  }
0xd4: {  	[tilespmem:s29], [sflag:$0x1] =	stream.indirect_vreg.gather [hbm4b:s5+s3], $0x80, v20, vm0, $0xb8;
	[tilespmem:$0x18180] =	vst v63  }
0xd5: {  	s18 =	simm.s32 $0x1980  }
0xd6: {  	[tilespmem:s18], [sflag:$0x1] =	stream.indirect_vreg.gather [hbm4b:s6+s3], $0x80, v20, vm0, $0xb8;
	[tilespmem:$0x18180] =	vst v63  }
0xd7: {  	s22 =	simm.s32 $0x2180  }
0xd8: {  	[tilespmem:s22], [sflag:$0x1] =	stream.indirect_vreg.gather [hbm4b:s1+s3], $0x80, v19, vm0, $0xb8;
	[tilespmem:$0x18180] =	vst v63  }
0xd9: {  	s23 =	simm.s32 $0x2980  }
0xda: {  	[tilespmem:s23], [sflag:$0x1] =	stream.indirect_vreg.gather [hbm4b:s4+s3], $0x80, v19, vm0, $0xb8;
	[tilespmem:$0x18180] =	vst v63  }
0xdb: {  	s24 =	simm.s32 $0x3180  }
0xdc: {  	[tilespmem:s24], [sflag:$0x1] =	stream.indirect_vreg.gather [hbm4b:s5+s3], $0x80, v19, vm0, $0xb8;
	[tilespmem:$0x18180] =	vst v63  }
0xdd: {  	s20 =	simm.s32 $0x3980;
	s18 =	simm.s32 $0x3  }
0xde: {  	[tilespmem:s20], [sflag:$0x1] =	stream.indirect_vreg.gather [hbm4b:s6+s3], $0x80, v19, vm0, $0xb8;
	[tilespmem:$0x18180] =	vst v63  }
0xdf: {  	_ =	swait.ge [sflag:s18], $0x4000  }
0xe0: {  	[sflag:s18] =	ssyncset.done $0x0  }
0xe1: {  	s20 =	simm.s32 $0x8;
	s23 =	rddreg [dreg:$0x7];
	[sflag:s18] =	ssyncadd.s32 $0xFFFFC000  }
0xe2: {  	[hbm4b:s23+s3] =	stream.linear.scatter [tilespmem:s0], [sflag:$0x9], $0x4000, $0x38;
	[tilespmem:$0x18180] =	vst v63  }
0xe3: {  	_ =	swait.ge [sflag:s20], $0x4000  }
0xe4: {  	[sflag:s20] =	ssyncset.done $0x0  }
0xe5: {  	[sflag:s20] =	ssyncadd.s32 $0xFFFFC000  }
0xe6: {  	v19 =	vld [tilespmem:$0x70];
	_ =	sdelay $0x4  }
0xe7: {  	v20 =	vshll.u32 v19, $0x3  }
0xe8: {  	v19 =	vand.u32 $0x7, v19;
	v20 =	vand.u32 $0xFFFFFFC0, v20  }
0xe9: {  	v19 =	vor.u32 v19, v20  }
0xea: {  	v20 =	vperm.xlane v19, v16;
	_ =	sdelay $0x1  }
0xeb: {  	v20 =	vadd.s32 v17, v20;
	_ =	sdelay $0x4  }
0xec: {  	[tilespmem:s25], [sflag:$0x2] =	stream.indirect_vreg.gather [hbm4b:s1+s3], $0x80, v20, vm0, $0xb8;
	[tilespmem:$0x18180] =	vst v63  }
0xed: {  	s24 =	simm.s32 $0x4980;
	v19 =	vperm.xlane v19, v18  }
0xee: {  	[tilespmem:s24], [sflag:$0x2] =	stream.indirect_vreg.gather [hbm4b:s4+s3], $0x80, v20, vm0, $0xb8;
	[tilespmem:$0x18180] =	vst v63  }
0xef: {  	s29 =	simm.s32 $0x5180;
	v19 =	vadd.s32 v17, v19  }
0xf0: {  	[tilespmem:s29], [sflag:$0x2] =	stream.indirect_vreg.gather [hbm4b:s5+s3], $0x80, v20, vm0, $0xb8;
	[tilespmem:$0x18180] =	vst v63  }
0xf1: {  	s22 =	simm.s32 $0x5980  }
0xf2: {  	[tilespmem:s22], [sflag:$0x2] =	stream.indirect_vreg.gather [hbm4b:s6+s3], $0x80, v20, vm0, $0xb8;
	[tilespmem:$0x18180] =	vst v63  }
0xf3: {  	s23 =	simm.s32 $0x6180  }
0xf4: {  	[tilespmem:s23], [sflag:$0x2] =	stream.indirect_vreg.gather [hbm4b:s1+s3], $0x80, v19, vm0, $0xb8;
	[tilespmem:$0x18180] =	vst v63  }
0xf5: {  	s24 =	simm.s32 $0x6980  }
0xf6: {  	[tilespmem:s24], [sflag:$0x2] =	stream.indirect_vreg.gather [hbm4b:s4+s3], $0x80, v19, vm0, $0xb8;
	[tilespmem:$0x18180] =	vst v63  }
0xf7: {  	s29 =	simm.s32 $0x7180  }
0xf8: {  	[tilespmem:s29], [sflag:$0x2] =	stream.indirect_vreg.gather [hbm4b:s5+s3], $0x80, v19, vm0, $0xb8;
	[tilespmem:$0x18180] =	vst v63  }
0xf9: {  	s22 =	simm.s32 $0x7980  }
0xfa: {  	[tilespmem:s22], [sflag:$0x2] =	stream.indirect_vreg.gather [hbm4b:s6+s3], $0x80, v19, vm0, $0xb8;
	[tilespmem:$0x18180] =	vst v63  }
0xfb: {  	s22 =	simm.s32 $0x4  }
0xfc: {  	_ =	swait.ge [sflag:s22], $0x4000  }
0xfd: {  	[sflag:s22] =	ssyncset.done $0x0  }
0xfe: {  	s23 =	rddreg [dreg:$0x8];
	[sflag:s22] =	ssyncadd.s32 $0xFFFFC000  }
0xff: {  	[hbm4b:s23+s3] =	stream.linear.scatter [tilespmem:s19], [sflag:$0xA], $0x4000, $0x38;
	[tilespmem:$0x18180] =	vst v63  }
0x100: {  	_ =	swait.ge [sflag:s31], $0x4000  }
0x101: {  	[sflag:s31] =	ssyncset.done $0x0  }
0x102: {  	[sflag:s31] =	ssyncadd.s32 $0xFFFFC000  }
0x103: {  	v19 =	vld [tilespmem:$0x80];
	_ =	sdelay $0x4  }
0x104: {  	v20 =	vshll.u32 v19, $0x3  }
0x105: {  	v19 =	vand.u32 $0x7, v19;
	v20 =	vand.u32 $0xFFFFFFC0, v20  }
0x106: {  	v19 =	vor.u32 v19, v20  }
0x107: {  	v20 =	vperm.xlane v19, v16;
	_ =	sdelay $0x1  }
0x108: {  	v20 =	vadd.s32 v17, v20;
	_ =	sdelay $0x4  }
0x109: {  	[tilespmem:s0], [sflag:$0x3] =	stream.indirect_vreg.gather [hbm4b:s1+s3], $0x80, v20, vm0, $0xb8;
	[tilespmem:$0x18180] =	vst v63  }
0x10a: {  	s24 =	simm.s32 $0x8980;
	v19 =	vperm.xlane v19, v18  }
0x10b: {  	[tilespmem:s24], [sflag:$0x3] =	stream.indirect_vreg.gather [hbm4b:s4+s3], $0x80, v20, vm0, $0xb8;
	[tilespmem:$0x18180] =	vst v63  }
0x10c: {  	s29 =	simm.s32 $0x9180;
	v19 =	vadd.s32 v17, v19  }
0x10d: {  	[tilespmem:s29], [sflag:$0x3] =	stream.indirect_vreg.gather [hbm4b:s5+s3], $0x80, v20, vm0, $0xb8;
	[tilespmem:$0x18180] =	vst v63  }
0x10e: {  	s23 =	simm.s32 $0x9980  }
0x10f: {  	[tilespmem:s23], [sflag:$0x3] =	stream.indirect_vreg.gather [hbm4b:s6+s3], $0x80, v20, vm0, $0xb8;
	[tilespmem:$0x18180] =	vst v63  }
0x110: {  	s24 =	simm.s32 $0xA180  }
0x111: {  	[tilespmem:s24], [sflag:$0x3] =	stream.indirect_vreg.gather [hbm4b:s1+s3], $0x80, v19, vm0, $0xb8;
	[tilespmem:$0x18180] =	vst v63  }
0x112: {  	s29 =	simm.s32 $0xA980  }
0x113: {  	[tilespmem:s29], [sflag:$0x3] =	stream.indirect_vreg.gather [hbm4b:s4+s3], $0x80, v19, vm0, $0xb8;
	[tilespmem:$0x18180] =	vst v63  }
0x114: {  	s23 =	simm.s32 $0xB180  }
0x115: {  	[tilespmem:s23], [sflag:$0x3] =	stream.indirect_vreg.gather [hbm4b:s5+s3], $0x80, v19, vm0, $0xb8;
	[tilespmem:$0x18180] =	vst v63  }
0x116: {  	s24 =	simm.s32 $0xB980;
	s23 =	simm.s32 $0x5  }
0x117: {  	[tilespmem:s24], [sflag:$0x3] =	stream.indirect_vreg.gather [hbm4b:s6+s3], $0x80, v19, vm0, $0xb8;
	[tilespmem:$0x18180] =	vst v63  }
0x118: {  	_ =	swait.ge [sflag:s23], $0x4000  }
0x119: {  	[sflag:s23] =	ssyncset.done $0x0  }
0x11a: {  	s29 =	rddreg [dreg:$0x9];
	[sflag:s23] =	ssyncadd.s32 $0xFFFFC000  }
0x11b: {  	[hbm4b:s29+s3] =	stream.linear.scatter [tilespmem:s2], [sflag:$0xB], $0x4000, $0x38;
	[tilespmem:$0x18180] =	vst v63  }
0x11c: {  	_ =	swait.ge [sflag:s30], $0x4000  }
0x11d: {  	[sflag:s30] =	ssyncset.done $0x0  }
0x11e: {  	[sflag:s30] =	ssyncadd.s32 $0xFFFFC000  }
0x11f: {  	v19 =	vld [tilespmem:$0x90];
	_ =	sdelay $0x4  }
0x120: {  	v20 =	vshll.u32 v19, $0x3  }
0x121: {  	v19 =	vand.u32 $0x7, v19;
	v20 =	vand.u32 $0xFFFFFFC0, v20  }
0x122: {  	v19 =	vor.u32 v19, v20  }
0x123: {  	v20 =	vperm.xlane v19, v16;
	_ =	sdelay $0x1  }
0x124: {  	v20 =	vadd.s32 v17, v20;
	_ =	sdelay $0x4  }
0x125: {  	[tilespmem:s19], [sflag:$0x4] =	stream.indirect_vreg.gather [hbm4b:s1+s3], $0x80, v20, vm0, $0xb8;
	[tilespmem:$0x18180] =	vst v63  }
0x126: {  	s24 =	simm.s32 $0xC980;
	v19 =	vperm.xlane v19, v18  }
0x127: {  	[tilespmem:s24], [sflag:$0x4] =	stream.indirect_vreg.gather [hbm4b:s4+s3], $0x80, v20, vm0, $0xb8;
	[tilespmem:$0x18180] =	vst v63  }
0x128: {  	s29 =	simm.s32 $0xD180;
	v19 =	vadd.s32 v17, v19  }
0x129: {  	[tilespmem:s29], [sflag:$0x4] =	stream.indirect_vreg.gather [hbm4b:s5+s3], $0x80, v20, vm0, $0xb8;
	[tilespmem:$0x18180] =	vst v63  }
0x12a: {  	s24 =	simm.s32 $0xD980  }
0x12b: {  	[tilespmem:s24], [sflag:$0x4] =	stream.indirect_vreg.gather [hbm4b:s6+s3], $0x80, v20, vm0, $0xb8;
	[tilespmem:$0x18180] =	vst v63  }
0x12c: {  	s29 =	simm.s32 $0xE180  }
0x12d: {  	[tilespmem:s29], [sflag:$0x4] =	stream.indirect_vreg.gather [hbm4b:s1+s3], $0x80, v19, vm0, $0xb8;
	[tilespmem:$0x18180] =	vst v63  }
0x12e: {  	s24 =	simm.s32 $0xE980  }
0x12f: {  	[tilespmem:s24], [sflag:$0x4] =	stream.indirect_vreg.gather [hbm4b:s4+s3], $0x80, v19, vm0, $0xb8;
	[tilespmem:$0x18180] =	vst v63  }
0x130: {  	s29 =	simm.s32 $0xF180  }
0x131: {  	[tilespmem:s29], [sflag:$0x4] =	stream.indirect_vreg.gather [hbm4b:s5+s3], $0x80, v19, vm0, $0xb8;
	[tilespmem:$0x18180] =	vst v63  }
0x132: {  	s24 =	simm.s32 $0xF980  }
0x133: {  	[tilespmem:s24], [sflag:$0x4] =	stream.indirect_vreg.gather [hbm4b:s6+s3], $0x80, v19, vm0, $0xb8;
	[tilespmem:$0x18180] =	vst v63  }
0x134: {  	s24 =	simm.s32 $0x6  }
0x135: {  	_ =	swait.ge [sflag:s24], $0x4000  }
0x136: {  	[sflag:s24] =	ssyncset.done $0x0  }
0x137: {  	s29 =	rddreg [dreg:$0xa];
	[sflag:s24] =	ssyncadd.s32 $0xFFFFC000  }
0x138: {  	[hbm4b:s29+s3] =	stream.linear.scatter [tilespmem:s16], [sflag:$0xC], $0x4000, $0x38;
	[tilespmem:$0x18180] =	vst v63  }
0x139: {  	s29 =	simm.s32 $0xB  }
0x13a: {  	_ =	swait.ge [sflag:s29], $0x4000  }
0x13b: {  	[sflag:s29] =	ssyncset.done $0x0  }
0x13c: {  	[sflag:s29] =	ssyncadd.s32 $0xFFFFC000  }
0x13d: {  	v19 =	vld [tilespmem:$0xA0];
	_ =	sdelay $0x4  }
0x13e: {  	v20 =	vshll.u32 v19, $0x3  }
0x13f: {  	v19 =	vand.u32 $0x7, v19;
	v20 =	vand.u32 $0xFFFFFFC0, v20  }
0x140: {  	v19 =	vor.u32 v19, v20  }
0x141: {  	v20 =	vperm.xlane v19, v16;
	_ =	sdelay $0x1  }
0x142: {  	v20 =	vadd.s32 v17, v20;
	_ =	sdelay $0x4  }
0x143: {  	[tilespmem:s2], [sflag:$0x5] =	stream.indirect_vreg.gather [hbm4b:s1+s3], $0x80, v20, vm0, $0xb8;
	[tilespmem:$0x18180] =	vst v63  }
0x144: {  	v19 =	vperm.xlane v19, v18  }
0x145: {  	[tilespmem:s8], [sflag:$0x5] =	stream.indirect_vreg.gather [hbm4b:s4+s3], $0x80, v20, vm0, $0xb8;
	[tilespmem:$0x18180] =	vst v63  }
0x146: {  	v19 =	vadd.s32 v17, v19  }
0x147: {  	[tilespmem:s9], [sflag:$0x5] =	stream.indirect_vreg.gather [hbm4b:s5+s3], $0x80, v20, vm0, $0xb8;
	[tilespmem:$0x18180] =	vst v63  }
0x148: {  	_ = 	snop  }
0x149: {  	[tilespmem:s11], [sflag:$0x5] =	stream.indirect_vreg.gather [hbm4b:s6+s3], $0x80, v20, vm0, $0xb8;
	[tilespmem:$0x18180] =	vst v63  }
0x14a: {  	_ = 	snop  }
0x14b: {  	[tilespmem:s12], [sflag:$0x5] =	stream.indirect_vreg.gather [hbm4b:s1+s3], $0x80, v19, vm0, $0xb8;
	[tilespmem:$0x18180] =	vst v63  }
0x14c: {  	_ = 	snop  }
0x14d: {  	[tilespmem:s13], [sflag:$0x5] =	stream.indirect_vreg.gather [hbm4b:s4+s3], $0x80, v19, vm0, $0xb8;
	[tilespmem:$0x18180] =	vst v63  }
0x14e: {  	_ = 	snop  }
0x14f: {  	[tilespmem:s14], [sflag:$0x5] =	stream.indirect_vreg.gather [hbm4b:s5+s3], $0x80, v19, vm0, $0xb8;
	[tilespmem:$0x18180] =	vst v63  }
0x150: {  	_ = 	snop  }
0x151: {  	[tilespmem:s15], [sflag:$0x5] =	stream.indirect_vreg.gather [hbm4b:s6+s3], $0x80, v19, vm0, $0xb8;
	[tilespmem:$0x18180] =	vst v63  }
0x152: {  	_ =	swait.ge [sflag:s21], $0x4000  }
0x153: {  	[sflag:s21] =	ssyncset.done $0x0  }
0x154: {  	s8 =	simm.s32 $0xC;
	s9 =	rddreg [dreg:$0xb];
	[sflag:s21] =	ssyncadd.s32 $0xFFFFC000  }
0x155: {  	[hbm4b:s9+s3] =	stream.linear.scatter [tilespmem:s17], [sflag:$0x7], $0x4000, $0x38;
	[tilespmem:$0x18180] =	vst v63  }
0x156: {  	_ =	swait.ge [sflag:s8], $0x4000  }
0x157: {  	[sflag:s8] =	ssyncset.done $0x0  }
0x158: {  	[sflag:s8] =	ssyncadd.s32 $0xFFFFC000  }
0x159: {  	v19 =	vld [tilespmem:$0xB0];
	_ =	sdelay $0x4  }
0x15a: {  	v20 =	vshll.u32 v19, $0x3  }
0x15b: {  	v19 =	vand.u32 $0x7, v19;
	v20 =	vand.u32 $0xFFFFFFC0, v20  }
0x15c: {  	v19 =	vor.u32 v19, v20  }
0x15d: {  	v20 =	vperm.xlane v19, v16;
	_ =	sdelay $0x1  }
0x15e: {  	v20 =	vadd.s32 v17, v20;
	_ =	sdelay $0x4  }
0x15f: {  	[tilespmem:s16], [sflag:$0x6] =	stream.indirect_vreg.gather [hbm4b:s1+s3], $0x80, v20, vm0, $0xb8;
	[tilespmem:$0x18180] =	vst v63  }
0x160: {  	s11 =	simm.s32 $0x14980;
	v19 =	vperm.xlane v19, v18  }
0x161: {  	[tilespmem:s11], [sflag:$0x6] =	stream.indirect_vreg.gather [hbm4b:s4+s3], $0x80, v20, vm0, $0xb8;
	[tilespmem:$0x18180] =	vst v63  }
0x162: {  	s10 =	simm.s32 $0x15180;
	v19 =	vadd.s32 v17, v19  }
0x163: {  	[tilespmem:s10], [sflag:$0x6] =	stream.indirect_vreg.gather [hbm4b:s5+s3], $0x80, v20, vm0, $0xb8;
	[tilespmem:$0x18180] =	vst v63  }
0x164: {  	s11 =	simm.s32 $0x15980  }
0x165: {  	[tilespmem:s11], [sflag:$0x6] =	stream.indirect_vreg.gather [hbm4b:s6+s3], $0x80, v20, vm0, $0xb8;
	[tilespmem:$0x18180] =	vst v63  }
0x166: {  	s10 =	simm.s32 $0x16180  }
0x167: {  	[tilespmem:s10], [sflag:$0x6] =	stream.indirect_vreg.gather [hbm4b:s1+s3], $0x80, v19, vm0, $0xb8;
	[tilespmem:$0x18180] =	vst v63  }
0x168: {  	s11 =	simm.s32 $0x16980  }
0x169: {  	[tilespmem:s11], [sflag:$0x6] =	stream.indirect_vreg.gather [hbm4b:s4+s3], $0x80, v19, vm0, $0xb8;
	[tilespmem:$0x18180] =	vst v63  }
0x16a: {  	s10 =	simm.s32 $0x17180  }
0x16b: {  	[tilespmem:s10], [sflag:$0x6] =	stream.indirect_vreg.gather [hbm4b:s5+s3], $0x80, v19, vm0, $0xb8;
	[tilespmem:$0x18180] =	vst v63  }
0x16c: {  	s11 =	simm.s32 $0x17980  }
0x16d: {  	[tilespmem:s11], [sflag:$0x6] =	stream.indirect_vreg.gather [hbm4b:s6+s3], $0x80, v19, vm0, $0xb8;
	[tilespmem:$0x18180] =	vst v63  }
0x16e: {  	_ =	swait.ge [sflag:s26], $0x4000  }
0x16f: {  	[sflag:s26] =	ssyncset.done $0x0  }
0x170: {  	s9 =	rddreg [dreg:$0xc];
	[sflag:s26] =	ssyncadd.s32 $0xFFFFC000  }
0x171: {  	[hbm4b:s9+s3] =	stream.linear.scatter [tilespmem:s25], [sflag:$0x8], $0x4000, $0x38;
	[tilespmem:$0x18180] =	vst v63  }
0x172: {  	_ =	swait.ge [sflag:s28], $0x4000  }
0x173: {  	[sflag:s28] =	ssyncset.done $0x0  }
0x174: {  	[sflag:s28] =	ssyncadd.s32 $0xFFFFC000  }
0x175: {  	v19 =	vld [tilespmem:$0xC0];
	_ =	sdelay $0x4  }
0x176: {  	v20 =	vshll.u32 v19, $0x3  }
0x177: {  	v19 =	vand.u32 $0x7, v19;
	v20 =	vand.u32 $0xFFFFFFC0, v20  }
0x178: {  	v19 =	vor.u32 v19, v20  }
0x179: {  	v20 =	vperm.xlane v19, v16;
	_ =	sdelay $0x1  }
0x17a: {  	v20 =	vadd.s32 v17, v20;
	_ =	sdelay $0x4  }
0x17b: {  	[tilespmem:s17], [sflag:$0x1] =	stream.indirect_vreg.gather [hbm4b:s1+s3], $0x80, v20, vm0, $0xb8;
	[tilespmem:$0x18180] =	vst v63  }
0x17c: {  	s11 =	simm.s32 $0x980;
	v19 =	vperm.xlane v19, v18  }
0x17d: {  	[tilespmem:s11], [sflag:$0x1] =	stream.indirect_vreg.gather [hbm4b:s4+s3], $0x80, v20, vm0, $0xb8;
	[tilespmem:$0x18180] =	vst v63  }
0x17e: {  	s10 =	simm.s32 $0x1180;
	v19 =	vadd.s32 v17, v19  }
0x17f: {  	[tilespmem:s10], [sflag:$0x1] =	stream.indirect_vreg.gather [hbm4b:s5+s3], $0x80, v20, vm0, $0xb8;
	[tilespmem:$0x18180] =	vst v63  }
0x180: {  	s11 =	simm.s32 $0x1980  }
0x181: {  	[tilespmem:s11], [sflag:$0x1] =	stream.indirect_vreg.gather [hbm4b:s6+s3], $0x80, v20, vm0, $0xb8;
	[tilespmem:$0x18180] =	vst v63  }
0x182: {  	s10 =	simm.s32 $0x2180  }
0x183: {  	[tilespmem:s10], [sflag:$0x1] =	stream.indirect_vreg.gather [hbm4b:s1+s3], $0x80, v19, vm0, $0xb8;
	[tilespmem:$0x18180] =	vst v63  }
0x184: {  	s11 =	simm.s32 $0x2980  }
0x185: {  	[tilespmem:s11], [sflag:$0x1] =	stream.indirect_vreg.gather [hbm4b:s4+s3], $0x80, v19, vm0, $0xb8;
	[tilespmem:$0x18180] =	vst v63  }
0x186: {  	s10 =	simm.s32 $0x3180  }
0x187: {  	[tilespmem:s10], [sflag:$0x1] =	stream.indirect_vreg.gather [hbm4b:s5+s3], $0x80, v19, vm0, $0xb8;
	[tilespmem:$0x18180] =	vst v63  }
0x188: {  	s11 =	simm.s32 $0x3980  }
0x189: {  	[tilespmem:s11], [sflag:$0x1] =	stream.indirect_vreg.gather [hbm4b:s6+s3], $0x80, v19, vm0, $0xb8;
	[tilespmem:$0x18180] =	vst v63  }
0x18a: {  	_ =	swait.ge [sflag:s18], $0x4000  }
0x18b: {  	[sflag:s18] =	ssyncset.done $0x0  }
0x18c: {  	s9 =	rddreg [dreg:$0xd];
	[sflag:s18] =	ssyncadd.s32 $0xFFFFC000  }
0x18d: {  	[hbm4b:s9+s3] =	stream.linear.scatter [tilespmem:s0], [sflag:$0x9], $0x4000, $0x38;
	[tilespmem:$0x18180] =	vst v63  }
0x18e: {  	_ =	swait.ge [sflag:s20], $0x4000  }
0x18f: {  	[sflag:s20] =	ssyncset.done $0x0  }
0x190: {  	[sflag:s20] =	ssyncadd.s32 $0xFFFFC000  }
0x191: {  	v19 =	vld [tilespmem:$0xD0];
	_ =	sdelay $0x4  }
0x192: {  	v20 =	vshll.u32 v19, $0x3  }
0x193: {  	v19 =	vand.u32 $0x7, v19;
	v20 =	vand.u32 $0xFFFFFFC0, v20  }
0x194: {  	v19 =	vor.u32 v19, v20  }
0x195: {  	v20 =	vperm.xlane v19, v16;
	_ =	sdelay $0x1  }
0x196: {  	v20 =	vadd.s32 v17, v20;
	_ =	sdelay $0x4  }
0x197: {  	[tilespmem:s25], [sflag:$0x2] =	stream.indirect_vreg.gather [hbm4b:s1+s3], $0x80, v20, vm0, $0xb8;
	[tilespmem:$0x18180] =	vst v63  }
0x198: {  	s11 =	simm.s32 $0x4980;
	v19 =	vperm.xlane v19, v18  }
0x199: {  	[tilespmem:s11], [sflag:$0x2] =	stream.indirect_vreg.gather [hbm4b:s4+s3], $0x80, v20, vm0, $0xb8;
	[tilespmem:$0x18180] =	vst v63  }
0x19a: {  	s10 =	simm.s32 $0x5180;
	v19 =	vadd.s32 v17, v19  }
0x19b: {  	[tilespmem:s10], [sflag:$0x2] =	stream.indirect_vreg.gather [hbm4b:s5+s3], $0x80, v20, vm0, $0xb8;
	[tilespmem:$0x18180] =	vst v63  }
0x19c: {  	s11 =	simm.s32 $0x5980  }
0x19d: {  	[tilespmem:s11], [sflag:$0x2] =	stream.indirect_vreg.gather [hbm4b:s6+s3], $0x80, v20, vm0, $0xb8;
	[tilespmem:$0x18180] =	vst v63  }
0x19e: {  	s10 =	simm.s32 $0x6180  }
0x19f: {  	[tilespmem:s10], [sflag:$0x2] =	stream.indirect_vreg.gather [hbm4b:s1+s3], $0x80, v19, vm0, $0xb8;
	[tilespmem:$0x18180] =	vst v63  }
0x1a0: {  	s11 =	simm.s32 $0x6980  }
0x1a1: {  	[tilespmem:s11], [sflag:$0x2] =	stream.indirect_vreg.gather [hbm4b:s4+s3], $0x80, v19, vm0, $0xb8;
	[tilespmem:$0x18180] =	vst v63  }
0x1a2: {  	s10 =	simm.s32 $0x7180  }
0x1a3: {  	[tilespmem:s10], [sflag:$0x2] =	stream.indirect_vreg.gather [hbm4b:s5+s3], $0x80, v19, vm0, $0xb8;
	[tilespmem:$0x18180] =	vst v63  }
0x1a4: {  	s11 =	simm.s32 $0x7980  }
0x1a5: {  	[tilespmem:s11], [sflag:$0x2] =	stream.indirect_vreg.gather [hbm4b:s6+s3], $0x80, v19, vm0, $0xb8;
	[tilespmem:$0x18180] =	vst v63  }
0x1a6: {  	_ =	swait.ge [sflag:s22], $0x4000  }
0x1a7: {  	[sflag:s22] =	ssyncset.done $0x0  }
0x1a8: {  	s9 =	rddreg [dreg:$0xe];
	[sflag:s22] =	ssyncadd.s32 $0xFFFFC000  }
0x1a9: {  	[hbm4b:s9+s3] =	stream.linear.scatter [tilespmem:s19], [sflag:$0xA], $0x4000, $0x38;
	[tilespmem:$0x18180] =	vst v63  }
0x1aa: {  	_ =	swait.ge [sflag:s31], $0x4000  }
0x1ab: {  	[sflag:s31] =	ssyncset.done $0x0  }
0x1ac: {  	[sflag:s31] =	ssyncadd.s32 $0xFFFFC000  }
0x1ad: {  	v19 =	vld [tilespmem:$0xE0];
	_ =	sdelay $0x4  }
0x1ae: {  	v20 =	vshll.u32 v19, $0x3  }
0x1af: {  	v19 =	vand.u32 $0x7, v19;
	v20 =	vand.u32 $0xFFFFFFC0, v20  }
0x1b0: {  	v19 =	vor.u32 v19, v20  }
0x1b1: {  	v20 =	vperm.xlane v19, v16;
	_ =	sdelay $0x1  }
0x1b2: {  	v20 =	vadd.s32 v17, v20;
	_ =	sdelay $0x4  }
0x1b3: {  	[tilespmem:s0], [sflag:$0x3] =	stream.indirect_vreg.gather [hbm4b:s1+s3], $0x80, v20, vm0, $0xb8;
	[tilespmem:$0x18180] =	vst v63  }
0x1b4: {  	s11 =	simm.s32 $0x8980;
	v19 =	vperm.xlane v19, v18  }
0x1b5: {  	[tilespmem:s11], [sflag:$0x3] =	stream.indirect_vreg.gather [hbm4b:s4+s3], $0x80, v20, vm0, $0xb8;
	[tilespmem:$0x18180] =	vst v63  }
0x1b6: {  	s10 =	simm.s32 $0x9180;
	v19 =	vadd.s32 v17, v19  }
0x1b7: {  	[tilespmem:s10], [sflag:$0x3] =	stream.indirect_vreg.gather [hbm4b:s5+s3], $0x80, v20, vm0, $0xb8;
	[tilespmem:$0x18180] =	vst v63  }
0x1b8: {  	s11 =	simm.s32 $0x9980  }
0x1b9: {  	[tilespmem:s11], [sflag:$0x3] =	stream.indirect_vreg.gather [hbm4b:s6+s3], $0x80, v20, vm0, $0xb8;
	[tilespmem:$0x18180] =	vst v63  }
0x1ba: {  	s10 =	simm.s32 $0xA180  }
0x1bb: {  	[tilespmem:s10], [sflag:$0x3] =	stream.indirect_vreg.gather [hbm4b:s1+s3], $0x80, v19, vm0, $0xb8;
	[tilespmem:$0x18180] =	vst v63  }
0x1bc: {  	s11 =	simm.s32 $0xA980  }
0x1bd: {  	[tilespmem:s11], [sflag:$0x3] =	stream.indirect_vreg.gather [hbm4b:s4+s3], $0x80, v19, vm0, $0xb8;
	[tilespmem:$0x18180] =	vst v63  }
0x1be: {  	s10 =	simm.s32 $0xB180  }
0x1bf: {  	[tilespmem:s10], [sflag:$0x3] =	stream.indirect_vreg.gather [hbm4b:s5+s3], $0x80, v19, vm0, $0xb8;
	[tilespmem:$0x18180] =	vst v63  }
0x1c0: {  	s11 =	simm.s32 $0xB980  }
0x1c1: {  	[tilespmem:s11], [sflag:$0x3] =	stream.indirect_vreg.gather [hbm4b:s6+s3], $0x80, v19, vm0, $0xb8;
	[tilespmem:$0x18180] =	vst v63  }
0x1c2: {  	_ =	swait.ge [sflag:s23], $0x4000  }
0x1c3: {  	[sflag:s23] =	ssyncset.done $0x0  }
0x1c4: {  	s9 =	rddreg [dreg:$0xf];
	[sflag:s23] =	ssyncadd.s32 $0xFFFFC000  }
0x1c5: {  	[hbm4b:s9+s3] =	stream.linear.scatter [tilespmem:s2], [sflag:$0xB], $0x4000, $0x38;
	[tilespmem:$0x18180] =	vst v63  }
0x1c6: {  	_ =	swait.ge [sflag:s30], $0x4000  }
0x1c7: {  	[sflag:s30] =	ssyncset.done $0x0  }
0x1c8: {  	[sflag:s30] =	ssyncadd.s32 $0xFFFFC000  }
0x1c9: {  	v19 =	vld [tilespmem:$0xF0];
	_ =	sdelay $0x4  }
0x1ca: {  	v20 =	vshll.u32 v19, $0x3  }
0x1cb: {  	v19 =	vand.u32 $0x7, v19;
	v20 =	vand.u32 $0xFFFFFFC0, v20  }
0x1cc: {  	v19 =	vor.u32 v19, v20  }
0x1cd: {  	v20 =	vperm.xlane v19, v16;
	_ =	sdelay $0x1  }
0x1ce: {  	v20 =	vadd.s32 v17, v20;
	_ =	sdelay $0x4  }
0x1cf: {  	[tilespmem:s19], [sflag:$0x4] =	stream.indirect_vreg.gather [hbm4b:s1+s3], $0x80, v20, vm0, $0xb8;
	[tilespmem:$0x18180] =	vst v63  }
0x1d0: {  	s10 =	simm.s32 $0xC980;
	v19 =	vperm.xlane v19, v18  }
0x1d1: {  	[tilespmem:s10], [sflag:$0x4] =	stream.indirect_vreg.gather [hbm4b:s4+s3], $0x80, v20, vm0, $0xb8;
	[tilespmem:$0x18180] =	vst v63  }
0x1d2: {  	s11 =	simm.s32 $0xD180;
	v19 =	vadd.s32 v17, v19  }
0x1d3: {  	[tilespmem:s11], [sflag:$0x4] =	stream.indirect_vreg.gather [hbm4b:s5+s3], $0x80, v20, vm0, $0xb8;
	[tilespmem:$0x18180] =	vst v63  }
0x1d4: {  	s23 =	simm.s32 $0xD980  }
0x1d5: {  	[tilespmem:s23], [sflag:$0x4] =	stream.indirect_vreg.gather [hbm4b:s6+s3], $0x80, v20, vm0, $0xb8;
	[tilespmem:$0x18180] =	vst v63  }
0x1d6: {  	s9 =	simm.s32 $0xE180  }
0x1d7: {  	[tilespmem:s9], [sflag:$0x4] =	stream.indirect_vreg.gather [hbm4b:s1+s3], $0x80, v19, vm0, $0xb8;
	[tilespmem:$0x18180] =	vst v63  }
0x1d8: {  	s10 =	simm.s32 $0xE980  }
0x1d9: {  	[tilespmem:s10], [sflag:$0x4] =	stream.indirect_vreg.gather [hbm4b:s4+s3], $0x80, v19, vm0, $0xb8;
	[tilespmem:$0x18180] =	vst v63  }
0x1da: {  	s11 =	simm.s32 $0xF180  }
0x1db: {  	[tilespmem:s11], [sflag:$0x4] =	stream.indirect_vreg.gather [hbm4b:s5+s3], $0x80, v19, vm0, $0xb8;
	[tilespmem:$0x18180] =	vst v63  }
0x1dc: {  	s23 =	simm.s32 $0xF980  }
0x1dd: {  	[tilespmem:s23], [sflag:$0x4] =	stream.indirect_vreg.gather [hbm4b:s6+s3], $0x80, v19, vm0, $0xb8;
	[tilespmem:$0x18180] =	vst v63  }
0x1de: {  	_ =	swait.ge [sflag:s24], $0x4000  }
0x1df: {  	[sflag:s24] =	ssyncset.done $0x0  }
0x1e0: {  	s2 =	rddreg [dreg:$0x10];
	[sflag:s24] =	ssyncadd.s32 $0xFFFFC000  }
0x1e1: {  	[hbm4b:s2+s3] =	stream.linear.scatter [tilespmem:s16], [sflag:$0xC], $0x4000, $0x38;
	[tilespmem:$0x18180] =	vst v63  }
0x1e2: {  	_ =	swait.ge [sflag:s21], $0x4000  }
0x1e3: {  	[sflag:s21] =	ssyncset.done $0x0  }
0x1e4: {  	s9 =	rddreg [dreg:$0x11];
	[sflag:s21] =	ssyncadd.s32 $0xFFFFC000  }
0x1e5: {  	[hbm4b:s9+s3] =	stream.linear.scatter [tilespmem:s17], [sflag:$0x7], $0x4000, $0x38;
	[tilespmem:$0x18180] =	vst v63  }
0x1e6: {  	_ =	swait.ge [sflag:s26], $0x4000  }
0x1e7: {  	[sflag:s26] =	ssyncset.done $0x0  }
0x1e8: {  	s11 =	rddreg [dreg:$0x12];
	[sflag:s26] =	ssyncadd.s32 $0xFFFFC000  }
0x1e9: {  	[hbm4b:s11+s3] =	stream.linear.scatter [tilespmem:s25], [sflag:$0x8], $0x4000, $0x38;
	[tilespmem:$0x18180] =	vst v63  }
0x1ea: {  	_ =	swait.ge [sflag:s18], $0x4000  }
0x1eb: {  	[sflag:s18] =	ssyncset.done $0x0  }
0x1ec: {  	s23 =	rddreg [dreg:$0x13];
	[sflag:s18] =	ssyncadd.s32 $0xFFFFC000  }
0x1ed: {  	[hbm4b:s23+s3] =	stream.linear.scatter [tilespmem:s0], [sflag:$0x9], $0x4000, $0x38;
	[tilespmem:$0x18180] =	vst v63  }
0x1ee: {  	_ =	swait.ge [sflag:s22], $0x4000  }
0x1ef: {  	[sflag:s22] =	ssyncset.done $0x0  }
0x1f0: {  	s24 =	rddreg [dreg:$0x14];
	[sflag:s22] =	ssyncadd.s32 $0xFFFFC000  }
0x1f1: {  	[hbm4b:s24+s3] =	stream.linear.scatter [tilespmem:s19], [sflag:$0xA], $0x4000, $0x38;
	[tilespmem:$0x18180] =	vst v63  }
0x1f2: {  	_ =	swait.ge [sflag:s29], $0x4000  }
0x1f3: {  	[sflag:s29] =	ssyncset.done $0x0  }
0x1f4: {  	[sflag:s29] =	ssyncadd.s32 $0xFFFFC000  }
0x1f5: {  	_ =	swait.ge [sflag:s8], $0x4000  }
0x1f6: {  	[sflag:s8] =	ssyncset.done $0x0  }
0x1f7: {  	[sflag:s8] =	ssyncadd.s32 $0xFFFFC000  }
0x1f8: {  	_ =	swait.ge [sflag:s28], $0x4000  }
0x1f9: {  	[sflag:s28] =	ssyncset.done $0x0  }
0x1fa: {  	[sflag:s28] =	ssyncadd.s32 $0xFFFFC000  }
0x1fb: {  	_ =	swait.ge [sflag:s20], $0x4000  }
0x1fc: {  	[sflag:s20] =	ssyncset.done $0x0  }
0x1fd: {  	[sflag:s20] =	ssyncadd.s32 $0xFFFFC000  }
0x1fe: {  	p0 =	sne.s32 s7, $0x1;
	_ =	swait.ge [sflag:s31], $0x4000  }
.Ltmp0:
0x1ff: {  	[sflag:s31] =	ssyncset.done $0x0;
	(pc) =	sbr.rel @p0 .LBB2_1-.Ltmp0, $4  }
0x200: {  	[sflag:s31] =	ssyncadd.s32 $0xFFFFC000  }
0x201: {  	_ =	swait.ge [sflag:s30], $0x4000  }
0x202: {  	[sflag:s30] =	ssyncset.done $0x0  }
0x203: {  	s7 =	sadd.s32 $0xFFFFFFFF, s7;
	[sflag:s30] =	ssyncadd.s32 $0xFFFFC000  }
0x204: {  	_ =	sfence.sel $0x180000  }
0x205: {  	[bflag:$0x0] =	sbarrier.arrive $0xFFFF  }
0x206: {  	_ =	strace $0x90000047  }
0x207: {  	s0 =	stileid.u32;
	[bflag:$0x2] =	sbarrier.arrive $0xFFFF  }
0x208: {  	p0 =	sne.s32 s0, $0x0;
	s0 =	rddreg [dreg:$0x3]  }
0x209: {  	s0 =	sadd.s32 @!p0 $0x100000, s0  }
0x20a: {  	[sflag:s0] =	ssyncadd.tile.s32 @!p0 $0x1;
	_ =	shalt  }
.Lfunc_end2:
_tile_overlayer_lowered:
.L_overlay_start_2:
0x20b: {  	(tag) =	ssettag $0x2  }
0x20c: {  	s0 =	rddreg [dreg:$0x0];
	s2 =	stileid.u32  }
0x20d: {  	s1 =	rddreg [dreg:$0x1];
	p0 =	sne.s32 s2, $0x0  }
0x20e: {  	s3 =	rddreg [dreg:$0x2];
	[bflag:$0x3] =	sbarrier.arrive $0xFFFF;
	s2 =	simm.s32 @!p0 $0x1C0D  }
0x20f: {  	[timem:s3], [sflag:s2] =	dma.local @!p0 [hbm:s0], s1  }
0x210: {  	s0 =	simm.s32 @!p0 $0xD  }
0x211: {  	_ =	swait.ge @!p0 [sflag:s0], s1  }
0x212: {  	s1 =	ssub.s32 @!p0 $0x0, s1;
	[sflag:s0] =	ssyncset.done @!p0 $0x0  }
0x213: {  	[sflag:s0] =	ssyncadd.s32 @!p0 s1  }
0x214: {  	[bflag:$0x3] =	sbarrier.arrive $0xFFFF  }
0x215: {  	_ =	shalt  }

</sc_bundles>
